<compile_context>
chip_gen: v7x
topology: tpu7x:2x2x1
jax: 0.10.2.dev20260603
libtpu: 0.0.44.dev20260713+nightly
codegen_flags: <defaults>
</compile_context>

<pallas_src>
import functools

import jax
import jax.numpy as jnp
from jax import lax
from jax.experimental import pallas as pl
from jax.experimental.pallas import tpu as pltpu
from jax.experimental.pallas import tpu_sc as plsc

B = 1024
NI = 1000
NCAND = 100
NSEEN = 200

NCORES = 2
NSUB = 16
NW = NCORES * NSUB
ROWS = B // NW

_mesh = plsc.VectorSubcoreMesh(core_axis_name="c", subcore_axis_name="s")
_sc_params = pltpu.CompilerParams(needs_layout_passes=False)


def _wid():
    return lax.axis_index("s") * NCORES + lax.axis_index("c")


@functools.partial(
    pl.kernel,
    mesh=_mesh,
    out_type=jax.ShapeDtypeStruct((B, NI), jnp.float32),
    scratch_types=[
        pltpu.VMEM((ROWS, NSEEN), jnp.int32),
        pltpu.VMEM((ROWS, NCAND), jnp.int32),
        pltpu.VMEM((ROWS, NI), jnp.float32),
    ],
    compiler_params=_sc_params,
)
def _build_v(seen_hbm, item_hbm, v_hbm, seen_v, item_v, v_v):
    base = _wid() * ROWS
    pltpu.sync_copy(seen_hbm.at[pl.ds(base, ROWS)], seen_v)
    pltpu.sync_copy(item_hbm.at[pl.ds(base, ROWS)], item_v)

    zeros16 = jnp.zeros((16,), jnp.float32)
    ones16 = jnp.ones((16,), jnp.float32)

    @plsc.parallel_loop(0, ROWS, unroll=2)
    def _zero(r):
        for j in range(NI // 16):
            v_v[r, pl.ds(j * 16, 16)] = zeros16
        v_v[r, pl.ds(NI - 16, 16)] = zeros16

    lanes = lax.iota(jnp.int32, 16)
    row_groups = [lanes + g * 16 for g in range(ROWS // 16)]

    @plsc.parallel_loop(0, NSEEN, unroll=16)
    def _scatter_seen(s):
        col = jnp.full((16,), s, jnp.int32)
        for rows in row_groups:
            vals = plsc.load_gather(seen_v, [rows, col])
            plsc.addupdate_scatter(v_v, [rows, vals], ones16)

    @plsc.parallel_loop(0, NCAND, unroll=10)
    def _zero_items(i):
        col = jnp.full((16,), i, jnp.int32)
        for rows in row_groups:
            vals = plsc.load_gather(item_v, [rows, col])
            plsc.store_scatter(v_v, [rows, vals], zeros16)

    pltpu.sync_copy(v_v, v_hbm.at[pl.ds(base, ROWS)])


def _matmul_body(v_ref, w_ref, o_ref):
    o_ref[...] = lax.dot_general(
        v_ref[...], w_ref[...],
        (((1,), (1,)), ((), ())),
        preferred_element_type=jnp.float32,
    )


def _matmul(v, weights):
    return pl.pallas_call(
        _matmul_body,
        grid=(8,),
        in_specs=[
            pl.BlockSpec((B // 8, NI), lambda i: (i, 0)),
            pl.BlockSpec((NI, NI), lambda i: (0, 0)),
        ],
        out_specs=pl.BlockSpec((B // 8, NI), lambda i: (i, 0)),
        out_shape=jax.ShapeDtypeStruct((B, NI), jnp.float32),
    )(v, weights)


@functools.partial(
    pl.kernel,
    mesh=_mesh,
    out_type=jax.ShapeDtypeStruct((B, NCAND), jnp.float32),
    scratch_types=[
        pltpu.VMEM((ROWS, NI), jnp.float32),
        pltpu.VMEM((ROWS, NCAND), jnp.int32),
        pltpu.VMEM((ROWS, NCAND), jnp.float32),
    ],
    compiler_params=_sc_params,
)
def _gather_scores(scores_hbm, item_hbm, out_hbm, scores_v, item_v, out_v):
    base = _wid() * ROWS
    pltpu.sync_copy(scores_hbm.at[pl.ds(base, ROWS)], scores_v)
    pltpu.sync_copy(item_hbm.at[pl.ds(base, ROWS)], item_v)

    lanes = lax.iota(jnp.int32, 16)
    row_groups = [lanes + g * 16 for g in range(ROWS // 16)]

    @plsc.parallel_loop(0, NCAND, unroll=10)
    def _gather(i):
        col = jnp.full((16,), i, jnp.int32)
        for rows in row_groups:
            it = plsc.load_gather(item_v, [rows, col])
            vals = plsc.load_gather(scores_v, [rows, it])
            plsc.store_scatter(out_v, [rows, col], vals)

    pltpu.sync_copy(out_v, out_hbm.at[pl.ds(base, ROWS)])


def kernel(x, item, seen_items, weights):
    v = _build_v(seen_items, item)
    scores = _matmul(v, weights)
    return _gather_scores(scores, item)

# --- scband reference (transcript-rebuilt; emitter-appended) ---
"""Pipeline reference for scband-free-item-knn-46179488367358 (READ-ONLY COPY).

The authoritative reference and input builder live on the scoring server;
editing this copy changes nothing except your own understanding.
"""

import jax, jax.numpy as jnp
import numpy as np

NUM_ITEMS = 1000
BATCH = 1024
N_CAND = 100
N_SEEN = 200
PADDING_IDX = 0


def setup_inputs(seed: int = 0) -> dict:
    key = jax.random.key(seed)
    k1, k2, k3 = jax.random.split(key, 3)
    x = jnp.zeros((BATCH,), dtype=jnp.float32)  # unused first arg `_`
    item = jax.random.randint(k1, (BATCH, N_CAND), 0, NUM_ITEMS, dtype=jnp.int32)
    seen_items = jax.random.randint(k2, (BATCH, N_SEEN), 0, NUM_ITEMS, dtype=jnp.int32)
    # learned parameter: full item-item similarity matrix, uniform init, padding row zeroed
    weights = jax.random.uniform(k3, (NUM_ITEMS, NUM_ITEMS), dtype=jnp.float32)
    weights = weights.at[PADDING_IDX].set(0.0)
    return {"x": x, "item": item, "seen_items": seen_items, "weights": weights}


def reference(x, item, seen_items, weights):
    # mask[b, s] = any_i (seen_items[b, s] == item[b, i])
    mask = jnp.any(seen_items[:, None, :] == item[:, :, None], axis=1)  # [B, S] bool
    # sim_matrix[b, i, s] = weights[item[b, i], seen_items[b, s]]
    # (equivalent to torch: gather(weights[item], index=repeat(seen_items), dim=-1))
    sim = weights[item[:, :, None], seen_items[:, None, :]]  # [B, I, S]
    sim = jnp.where(mask[:, None, :], 0.0, sim)
    logits = sim.sum(axis=-1)  # [B, I]
    return logits

if __name__ == "__main__":
    import jax
    _d = setup_inputs()
    print(jax.jit(kernel)(*tuple(_d.values())))

</pallas_src>

<mosaic_0001>
#map = affine_map<(d0, d1) -> (0, 0)>
module attributes {stable_mosaic.version = 14 : i64} {
  func.func @_gather_scores(%arg0: i32, %arg1: i32, %arg2: memref<1024x1000xf32, #tpu.memory_space<hbm>>, %arg3: memref<1024x100xi32, #tpu.memory_space<hbm>>, %arg4: memref<1024x100xf32, #tpu.memory_space<hbm>>, %arg5: memref<32x1000xf32, #tpu.memory_space<vmem>>, %arg6: memref<32x100xi32, #tpu.memory_space<vmem>>, %arg7: memref<32x100xf32, #tpu.memory_space<vmem>>) attributes {dimension_semantics = [#tpu.dimension_semantics<core_parallel>, #tpu.dimension_semantics<subcore_parallel>], iteration_bounds = array<i64: 2, 16>, scalar_prefetch = 0 : i64, scratch_operands = 3 : i64, tpu.core_type = #tpu.core_type<sc_vector_subcore>, window_params = [{transform_indices = #map}, {transform_indices = #map}, {transform_indices = #map}]} {
    %mul3A = arith.constant 2 : i32
    %mul3A_0 = arith.muli %arg1, %mul3A : i32
    %add3A = arith.addi %mul3A_0, %arg0 : i32
    %mul3A_1 = arith.constant 32 : i32
    %mul3A_2 = arith.muli %add3A, %mul3A_1 : i32
    "tpu.region"() ({
      %run_scoped3A = tpu.sem_alloc : memref<!tpu.dma_semaphore, #tpu.memory_space<semaphore_mem>>
      %dma_start3A = arith.constant 0 : i32
      %dma_start3A_11 = tpu.memref_slice %arg2[%mul3A_2, %dma_start3A] : memref<1024x1000xf32, #tpu.memory_space<hbm>> -> memref<32x1000xf32, #tpu.memory_space<hbm>>
      %dma_start3A_12 = arith.constant 0 : i32
      %dma_start3A_13 = tpu.memref_slice %arg2[%mul3A_2, %dma_start3A_12] : memref<1024x1000xf32, #tpu.memory_space<hbm>> -> memref<32x1000xf32, #tpu.memory_space<hbm>>
      tpu.enqueue_dma source(%dma_start3A_13 : memref<32x1000xf32, #tpu.memory_space<hbm>>) target(%arg5 : memref<32x1000xf32, #tpu.memory_space<vmem>>) target_semaphore(%run_scoped3A : memref<!tpu.dma_semaphore, #tpu.memory_space<semaphore_mem>>)
      %dma_wait3A = arith.constant 0 : i32
      %dma_wait3A_14 = tpu.memref_slice %arg2[%mul3A_2, %dma_wait3A] : memref<1024x1000xf32, #tpu.memory_space<hbm>> -> memref<32x1000xf32, #tpu.memory_space<hbm>>
      %dma_wait3A_15 = arith.constant 0 : i32
      %dma_wait3A_16 = tpu.memref_slice %arg2[%mul3A_2, %dma_wait3A_15] : memref<1024x1000xf32, #tpu.memory_space<hbm>> -> memref<32x1000xf32, #tpu.memory_space<hbm>>
      tpu.wait_dma2 semaphore(%run_scoped3A : memref<!tpu.dma_semaphore, #tpu.memory_space<semaphore_mem>>) src(%dma_wait3A_16 : memref<32x1000xf32, #tpu.memory_space<hbm>>) dst(%arg5 : memref<32x1000xf32, #tpu.memory_space<vmem>>)
      tpu.yield
    }) : () -> ()
    "tpu.region"() ({
      %run_scoped3A = tpu.sem_alloc : memref<!tpu.dma_semaphore, #tpu.memory_space<semaphore_mem>>
      %dma_start3A = arith.constant 0 : i32
      %dma_start3A_11 = tpu.memref_slice %arg3[%mul3A_2, %dma_start3A] : memref<1024x100xi32, #tpu.memory_space<hbm>> -> memref<32x100xi32, #tpu.memory_space<hbm>>
      %dma_start3A_12 = arith.constant 0 : i32
      %dma_start3A_13 = tpu.memref_slice %arg3[%mul3A_2, %dma_start3A_12] : memref<1024x100xi32, #tpu.memory_space<hbm>> -> memref<32x100xi32, #tpu.memory_space<hbm>>
      tpu.enqueue_dma source(%dma_start3A_13 : memref<32x100xi32, #tpu.memory_space<hbm>>) target(%arg6 : memref<32x100xi32, #tpu.memory_space<vmem>>) target_semaphore(%run_scoped3A : memref<!tpu.dma_semaphore, #tpu.memory_space<semaphore_mem>>)
      %dma_wait3A = arith.constant 0 : i32
      %dma_wait3A_14 = tpu.memref_slice %arg3[%mul3A_2, %dma_wait3A] : memref<1024x100xi32, #tpu.memory_space<hbm>> -> memref<32x100xi32, #tpu.memory_space<hbm>>
      %dma_wait3A_15 = arith.constant 0 : i32
      %dma_wait3A_16 = tpu.memref_slice %arg3[%mul3A_2, %dma_wait3A_15] : memref<1024x100xi32, #tpu.memory_space<hbm>> -> memref<32x100xi32, #tpu.memory_space<hbm>>
      tpu.wait_dma2 semaphore(%run_scoped3A : memref<!tpu.dma_semaphore, #tpu.memory_space<semaphore_mem>>) src(%dma_wait3A_16 : memref<32x100xi32, #tpu.memory_space<hbm>>) dst(%arg6 : memref<32x100xi32, #tpu.memory_space<vmem>>)
      tpu.yield
    }) : () -> ()
    %iota3A = tpu.iota {dimensions = array<i32: 0>} : vector<16xi32>
    %add3A_3 = arith.constant 0 : i32
    %add3A_4 = vector.broadcast %add3A_3 : i32 to vector<16xi32>
    %add3A_5 = arith.addi %iota3A, %add3A_4 : vector<16xi32>
    %add3A_6 = arith.constant 16 : i32
    %add3A_7 = vector.broadcast %add3A_6 : i32 to vector<16xi32>
    %add3A_8 = arith.addi %iota3A, %add3A_7 : vector<16xi32>
    %parallel_loop3A = arith.constant 0 : i32
    %parallel_loop3A_9 = arith.constant 100 : i32
    %parallel_loop3A_10 = arith.constant 1 : i32
    scf.for %parallel_loop3A_11 = %parallel_loop3A to %parallel_loop3A_9 step %parallel_loop3A_10  : i32 {
      %parallel_loop3A_12 = vector.broadcast %parallel_loop3A_11 : i32 to vector<16xi32>
      %parallel_loop3A_13 = tpu.vector_load_idx %arg6[%add3A_5, %parallel_loop3A_12] : memref<32x100xi32, #tpu.memory_space<vmem>>[vector<16xi32>, vector<16xi32>], vector<16xi32>,
      %parallel_loop3A_14 = tpu.vector_load_idx %arg5[%add3A_5, %parallel_loop3A_13] : memref<32x1000xf32, #tpu.memory_space<vmem>>[vector<16xi32>, vector<16xi32>], vector<16xf32>,
      tpu.vector_store_idx %arg7[%add3A_5, %parallel_loop3A_12], %parallel_loop3A_14 : memref<32x100xf32, #tpu.memory_space<vmem>>[vector<16xi32>, vector<16xi32>], vector<16xf32>,
      %parallel_loop3A_15 = tpu.vector_load_idx %arg6[%add3A_8, %parallel_loop3A_12] : memref<32x100xi32, #tpu.memory_space<vmem>>[vector<16xi32>, vector<16xi32>], vector<16xi32>,
      %parallel_loop3A_16 = tpu.vector_load_idx %arg5[%add3A_8, %parallel_loop3A_15] : memref<32x1000xf32, #tpu.memory_space<vmem>>[vector<16xi32>, vector<16xi32>], vector<16xf32>,
      tpu.vector_store_idx %arg7[%add3A_8, %parallel_loop3A_12], %parallel_loop3A_16 : memref<32x100xf32, #tpu.memory_space<vmem>>[vector<16xi32>, vector<16xi32>], vector<16xf32>,
    } {sc.loop_unroll_factor = 10 : i64, sc.parallel_access}
    "tpu.region"() ({
      %run_scoped3A = tpu.sem_alloc : memref<!tpu.dma_semaphore, #tpu.memory_space<semaphore_mem>>
      %dma_start3A = arith.constant 0 : i32
      %dma_start3A_11 = tpu.memref_slice %arg4[%mul3A_2, %dma_start3A] : memref<1024x100xf32, #tpu.memory_space<hbm>> -> memref<32x100xf32, #tpu.memory_space<hbm>>
      %dma_start3A_12 = arith.constant 0 : i32
      %dma_start3A_13 = tpu.memref_slice %arg4[%mul3A_2, %dma_start3A_12] : memref<1024x100xf32, #tpu.memory_space<hbm>> -> memref<32x100xf32, #tpu.memory_space<hbm>>
      tpu.enqueue_dma source(%arg7 : memref<32x100xf32, #tpu.memory_space<vmem>>) target(%dma_start3A_13 : memref<32x100xf32, #tpu.memory_space<hbm>>) target_semaphore(%run_scoped3A : memref<!tpu.dma_semaphore, #tpu.memory_space<semaphore_mem>>)
      %dma_wait3A = arith.constant 0 : i32
      %dma_wait3A_14 = tpu.memref_slice %arg4[%mul3A_2, %dma_wait3A] : memref<1024x100xf32, #tpu.memory_space<hbm>> -> memref<32x100xf32, #tpu.memory_space<hbm>>
      %dma_wait3A_15 = arith.constant 0 : i32
      %dma_wait3A_16 = tpu.memref_slice %arg4[%mul3A_2, %dma_wait3A_15] : memref<1024x100xf32, #tpu.memory_space<hbm>> -> memref<32x100xf32, #tpu.memory_space<hbm>>
      tpu.wait_dma2 semaphore(%run_scoped3A : memref<!tpu.dma_semaphore, #tpu.memory_space<semaphore_mem>>) src(%arg7 : memref<32x100xf32, #tpu.memory_space<vmem>>) dst(%dma_wait3A_16 : memref<32x100xf32, #tpu.memory_space<hbm>>)
      tpu.yield
    }) : () -> ()
    return
  }
}

#map = affine_map<(d0, d1) -> (0, 0)>
module attributes {stable_mosaic.version = 14 : i64} {
  func.func @_build_v(%arg0: i32, %arg1: i32, %arg2: memref<1024x200xi32, #tpu.memory_space<hbm>>, %arg3: memref<1024x100xi32, #tpu.memory_space<hbm>>, %arg4: memref<1024x1000xf32, #tpu.memory_space<hbm>>, %arg5: memref<32x200xi32, #tpu.memory_space<vmem>>, %arg6: memref<32x100xi32, #tpu.memory_space<vmem>>, %arg7: memref<32x1000xf32, #tpu.memory_space<vmem>>) attributes {dimension_semantics = [#tpu.dimension_semantics<core_parallel>, #tpu.dimension_semantics<subcore_parallel>], iteration_bounds = array<i64: 2, 16>, scalar_prefetch = 0 : i64, scratch_operands = 3 : i64, tpu.core_type = #tpu.core_type<sc_vector_subcore>, window_params = [{transform_indices = #map}, {transform_indices = #map}, {transform_indices = #map}]} {
    %mul3A = arith.constant 2 : i32
    %mul3A_0 = arith.muli %arg1, %mul3A : i32
    %add3A = arith.addi %mul3A_0, %arg0 : i32
    %mul3A_1 = arith.constant 32 : i32
    %mul3A_2 = arith.muli %add3A, %mul3A_1 : i32
    "tpu.region"() ({
      %run_scoped3A = tpu.sem_alloc : memref<!tpu.dma_semaphore, #tpu.memory_space<semaphore_mem>>
      %dma_start3A = arith.constant 0 : i32
      %dma_start3A_20 = tpu.memref_slice %arg2[%mul3A_2, %dma_start3A] : memref<1024x200xi32, #tpu.memory_space<hbm>> -> memref<32x200xi32, #tpu.memory_space<hbm>>
      %dma_start3A_21 = arith.constant 0 : i32
      %dma_start3A_22 = tpu.memref_slice %arg2[%mul3A_2, %dma_start3A_21] : memref<1024x200xi32, #tpu.memory_space<hbm>> -> memref<32x200xi32, #tpu.memory_space<hbm>>
      tpu.enqueue_dma source(%dma_start3A_22 : memref<32x200xi32, #tpu.memory_space<hbm>>) target(%arg5 : memref<32x200xi32, #tpu.memory_space<vmem>>) target_semaphore(%run_scoped3A : memref<!tpu.dma_semaphore, #tpu.memory_space<semaphore_mem>>)
      %dma_wait3A = arith.constant 0 : i32
      %dma_wait3A_23 = tpu.memref_slice %arg2[%mul3A_2, %dma_wait3A] : memref<1024x200xi32, #tpu.memory_space<hbm>> -> memref<32x200xi32, #tpu.memory_space<hbm>>
      %dma_wait3A_24 = arith.constant 0 : i32
      %dma_wait3A_25 = tpu.memref_slice %arg2[%mul3A_2, %dma_wait3A_24] : memref<1024x200xi32, #tpu.memory_space<hbm>> -> memref<32x200xi32, #tpu.memory_space<hbm>>
      tpu.wait_dma2 semaphore(%run_scoped3A : memref<!tpu.dma_semaphore, #tpu.memory_space<semaphore_mem>>) src(%dma_wait3A_25 : memref<32x200xi32, #tpu.memory_space<hbm>>) dst(%arg5 : memref<32x200xi32, #tpu.memory_space<vmem>>)
      tpu.yield
    }) : () -> ()
    "tpu.region"() ({
      %run_scoped3A = tpu.sem_alloc : memref<!tpu.dma_semaphore, #tpu.memory_space<semaphore_mem>>
      %dma_start3A = arith.constant 0 : i32
      %dma_start3A_20 = tpu.memref_slice %arg3[%mul3A_2, %dma_start3A] : memref<1024x100xi32, #tpu.memory_space<hbm>> -> memref<32x100xi32, #tpu.memory_space<hbm>>
      %dma_start3A_21 = arith.constant 0 : i32
      %dma_start3A_22 = tpu.memref_slice %arg3[%mul3A_2, %dma_start3A_21] : memref<1024x100xi32, #tpu.memory_space<hbm>> -> memref<32x100xi32, #tpu.memory_space<hbm>>
      tpu.enqueue_dma source(%dma_start3A_22 : memref<32x100xi32, #tpu.memory_space<hbm>>) target(%arg6 : memref<32x100xi32, #tpu.memory_space<vmem>>) target_semaphore(%run_scoped3A : memref<!tpu.dma_semaphore, #tpu.memory_space<semaphore_mem>>)
      %dma_wait3A = arith.constant 0 : i32
      %dma_wait3A_23 = tpu.memref_slice %arg3[%mul3A_2, %dma_wait3A] : memref<1024x100xi32, #tpu.memory_space<hbm>> -> memref<32x100xi32, #tpu.memory_space<hbm>>
      %dma_wait3A_24 = arith.constant 0 : i32
      %dma_wait3A_25 = tpu.memref_slice %arg3[%mul3A_2, %dma_wait3A_24] : memref<1024x100xi32, #tpu.memory_space<hbm>> -> memref<32x100xi32, #tpu.memory_space<hbm>>
      tpu.wait_dma2 semaphore(%run_scoped3A : memref<!tpu.dma_semaphore, #tpu.memory_space<semaphore_mem>>) src(%dma_wait3A_25 : memref<32x100xi32, #tpu.memory_space<hbm>>) dst(%arg6 : memref<32x100xi32, #tpu.memory_space<vmem>>)
      tpu.yield
    }) : () -> ()
    %broadcast_in_dim3A = arith.constant 0.000000e+00 : f32
    %broadcast_in_dim3A_3 = vector.broadcast %broadcast_in_dim3A : f32 to vector<16xf32>
    %broadcast_in_dim3A_4 = arith.constant 1.000000e+00 : f32
    %broadcast_in_dim3A_5 = vector.broadcast %broadcast_in_dim3A_4 : f32 to vector<16xf32>
    %parallel_loop3A = arith.constant 0 : i32
    %parallel_loop3A_6 = arith.constant 32 : i32
    %parallel_loop3A_7 = arith.constant 1 : i32
    scf.for %parallel_loop3A_20 = %parallel_loop3A to %parallel_loop3A_6 step %parallel_loop3A_7  : i32 {
      %parallel_loop3A_21 = arith.index_cast %parallel_loop3A_20 : i32 to index
      %parallel_loop3A_22 = arith.constant 0 : index
      %parallel_loop3A_23 = tpu.vector_load %arg7[%parallel_loop3A_21, %parallel_loop3A_22] {strides = array<i32>} : memref<32x1000xf32, #tpu.memory_space<vmem>>, vector<16xf32>,
      tpu.vector_store %arg7[%parallel_loop3A_21, %parallel_loop3A_22], %broadcast_in_dim3A_3 {strides = array<i32>} : memref<32x1000xf32, #tpu.memory_space<vmem>>, vector<16xf32>,
      %parallel_loop3A_24 = arith.index_cast %parallel_loop3A_20 : i32 to index
      %parallel_loop3A_25 = arith.constant 16 : index
      %parallel_loop3A_26 = tpu.vector_load %arg7[%parallel_loop3A_24, %parallel_loop3A_25] {strides = array<i32>} : memref<32x1000xf32, #tpu.memory_space<vmem>>, vector<16xf32>,
      tpu.vector_store %arg7[%parallel_loop3A_24, %parallel_loop3A_25], %broadcast_in_dim3A_3 {strides = array<i32>} : memref<32x1000xf32, #tpu.memory_space<vmem>>, vector<16xf32>,
      %parallel_loop3A_27 = arith.index_cast %parallel_loop3A_20 : i32 to index
      %parallel_loop3A_28 = arith.constant 32 : index
      %parallel_loop3A_29 = tpu.vector_load %arg7[%parallel_loop3A_27, %parallel_loop3A_28] {strides = array<i32>} : memref<32x1000xf32, #tpu.memory_space<vmem>>, vector<16xf32>,
      tpu.vector_store %arg7[%parallel_loop3A_27, %parallel_loop3A_28], %broadcast_in_dim3A_3 {strides = array<i32>} : memref<32x1000xf32, #tpu.memory_space<vmem>>, vector<16xf32>,
      %parallel_loop3A_30 = arith.index_cast %parallel_loop3A_20 : i32 to index
      %parallel_loop3A_31 = arith.constant 48 : index
      %parallel_loop3A_32 = tpu.vector_load %arg7[%parallel_loop3A_30, %parallel_loop3A_31] {strides = array<i32>} : memref<32x1000xf32, #tpu.memory_space<vmem>>, vector<16xf32>,
      tpu.vector_store %arg7[%parallel_loop3A_30, %parallel_loop3A_31], %broadcast_in_dim3A_3 {strides = array<i32>} : memref<32x1000xf32, #tpu.memory_space<vmem>>, vector<16xf32>,
      %parallel_loop3A_33 = arith.index_cast %parallel_loop3A_20 : i32 to index
      %parallel_loop3A_34 = arith.constant 64 : index
      %parallel_loop3A_35 = tpu.vector_load %arg7[%parallel_loop3A_33, %parallel_loop3A_34] {strides = array<i32>} : memref<32x1000xf32, #tpu.memory_space<vmem>>, vector<16xf32>,
      tpu.vector_store %arg7[%parallel_loop3A_33, %parallel_loop3A_34], %broadcast_in_dim3A_3 {strides = array<i32>} : memref<32x1000xf32, #tpu.memory_space<vmem>>, vector<16xf32>,
      %parallel_loop3A_36 = arith.index_cast %parallel_loop3A_20 : i32 to index
      %parallel_loop3A_37 = arith.constant 80 : index
      %parallel_loop3A_38 = tpu.vector_load %arg7[%parallel_loop3A_36, %parallel_loop3A_37] {strides = array<i32>} : memref<32x1000xf32, #tpu.memory_space<vmem>>, vector<16xf32>,
      tpu.vector_store %arg7[%parallel_loop3A_36, %parallel_loop3A_37], %broadcast_in_dim3A_3 {strides = array<i32>} : memref<32x1000xf32, #tpu.memory_space<vmem>>, vector<16xf32>,
      %parallel_loop3A_39 = arith.index_cast %parallel_loop3A_20 : i32 to index
      %parallel_loop3A_40 = arith.constant 96 : index
      %parallel_loop3A_41 = tpu.vector_load %arg7[%parallel_loop3A_39, %parallel_loop3A_40] {strides = array<i32>} : memref<32x1000xf32, #tpu.memory_space<vmem>>, vector<16xf32>,
      tpu.vector_store %arg7[%parallel_loop3A_39, %parallel_loop3A_40], %broadcast_in_dim3A_3 {strides = array<i32>} : memref<32x1000xf32, #tpu.memory_space<vmem>>, vector<16xf32>,
      %parallel_loop3A_42 = arith.index_cast %parallel_loop3A_20 : i32 to index
      %parallel_loop3A_43 = arith.constant 112 : index
      %parallel_loop3A_44 = tpu.vector_load %arg7[%parallel_loop3A_42, %parallel_loop3A_43] {strides = array<i32>} : memref<32x1000xf32, #tpu.memory_space<vmem>>, vector<16xf32>,
      tpu.vector_store %arg7[%parallel_loop3A_42, %parallel_loop3A_43], %broadcast_in_dim3A_3 {strides = array<i32>} : memref<32x1000xf32, #tpu.memory_space<vmem>>, vector<16xf32>,
      %parallel_loop3A_45 = arith.index_cast %parallel_loop3A_20 : i32 to index
      %parallel_loop3A_46 = arith.constant 128 : index
      %parallel_loop3A_47 = tpu.vector_load %arg7[%parallel_loop3A_45, %parallel_loop3A_46] {strides = array<i32>} : memref<32x1000xf32, #tpu.memory_space<vmem>>, vector<16xf32>,
      tpu.vector_store %arg7[%parallel_loop3A_45, %parallel_loop3A_46], %broadcast_in_dim3A_3 {strides = array<i32>} : memref<32x1000xf32, #tpu.memory_space<vmem>>, vector<16xf32>,
      %parallel_loop3A_48 = arith.index_cast %parallel_loop3A_20 : i32 to index
      %parallel_loop3A_49 = arith.constant 144 : index
      %parallel_loop3A_50 = tpu.vector_load %arg7[%parallel_loop3A_48, %parallel_loop3A_49] {strides = array<i32>} : memref<32x1000xf32, #tpu.memory_space<vmem>>, vector<16xf32>,
      tpu.vector_store %arg7[%parallel_loop3A_48, %parallel_loop3A_49], %broadcast_in_dim3A_3 {strides = array<i32>} : memref<32x1000xf32, #tpu.memory_space<vmem>>, vector<16xf32>,
      %parallel_loop3A_51 = arith.index_cast %parallel_loop3A_20 : i32 to index
      %parallel_loop3A_52 = arith.constant 160 : index
      %parallel_loop3A_53 = tpu.vector_load %arg7[%parallel_loop3A_51, %parallel_loop3A_52] {strides = array<i32>} : memref<32x1000xf32, #tpu.memory_space<vmem>>, vector<16xf32>,
      tpu.vector_store %arg7[%parallel_loop3A_51, %parallel_loop3A_52], %broadcast_in_dim3A_3 {strides = array<i32>} : memref<32x1000xf32, #tpu.memory_space<vmem>>, vector<16xf32>,
      %parallel_loop3A_54 = arith.index_cast %parallel_loop3A_20 : i32 to index
      %parallel_loop3A_55 = arith.constant 176 : index
      %parallel_loop3A_56 = tpu.vector_load %arg7[%parallel_loop3A_54, %parallel_loop3A_55] {strides = array<i32>} : memref<32x1000xf32, #tpu.memory_space<vmem>>, vector<16xf32>,
      tpu.vector_store %arg7[%parallel_loop3A_54, %parallel_loop3A_55], %broadcast_in_dim3A_3 {strides = array<i32>} : memref<32x1000xf32, #tpu.memory_space<vmem>>, vector<16xf32>,
      %parallel_loop3A_57 = arith.index_cast %parallel_loop3A_20 : i32 to index
      %parallel_loop3A_58 = arith.constant 192 : index
      %parallel_loop3A_59 = tpu.vector_load %arg7[%parallel_loop3A_57, %parallel_loop3A_58] {strides = array<i32>} : memref<32x1000xf32, #tpu.memory_space<vmem>>, vector<16xf32>,
      tpu.vector_store %arg7[%parallel_loop3A_57, %parallel_loop3A_58], %broadcast_in_dim3A_3 {strides = array<i32>} : memref<32x1000xf32, #tpu.memory_space<vmem>>, vector<16xf32>,
      %parallel_loop3A_60 = arith.index_cast %parallel_loop3A_20 : i32 to index
      %parallel_loop3A_61 = arith.constant 208 : index
      %parallel_loop3A_62 = tpu.vector_load %arg7[%parallel_loop3A_60, %parallel_loop3A_61] {strides = array<i32>} : memref<32x1000xf32, #tpu.memory_space<vmem>>, vector<16xf32>,
      tpu.vector_store %arg7[%parallel_loop3A_60, %parallel_loop3A_61], %broadcast_in_dim3A_3 {strides = array<i32>} : memref<32x1000xf32, #tpu.memory_space<vmem>>, vector<16xf32>,
      %parallel_loop3A_63 = arith.index_cast %parallel_loop3A_20 : i32 to index
      %parallel_loop3A_64 = arith.constant 224 : index
      %parallel_loop3A_65 = tpu.vector_load %arg7[%parallel_loop3A_63, %parallel_loop3A_64] {strides = array<i32>} : memref<32x1000xf32, #tpu.memory_space<vmem>>, vector<16xf32>,
      tpu.vector_store %arg7[%parallel_loop3A_63, %parallel_loop3A_64], %broadcast_in_dim3A_3 {strides = array<i32>} : memref<32x1000xf32, #tpu.memory_space<vmem>>, vector<16xf32>,
      %parallel_loop3A_66 = arith.index_cast %parallel_loop3A_20 : i32 to index
      %parallel_loop3A_67 = arith.constant 240 : index
      %parallel_loop3A_68 = tpu.vector_load %arg7[%parallel_loop3A_66, %parallel_loop3A_67] {strides = array<i32>} : memref<32x1000xf32, #tpu.memory_space<vmem>>, vector<16xf32>,
      tpu.vector_store %arg7[%parallel_loop3A_66, %parallel_loop3A_67], %broadcast_in_dim3A_3 {strides = array<i32>} : memref<32x1000xf32, #tpu.memory_space<vmem>>, vector<16xf32>,
      %parallel_loop3A_69 = arith.index_cast %parallel_loop3A_20 : i32 to index
      %parallel_loop3A_70 = arith.constant 256 : index
      %parallel_loop3A_71 = tpu.vector_load %arg7[%parallel_loop3A_69, %parallel_loop3A_70] {strides = array<i32>} : memref<32x1000xf32, #tpu.memory_space<vmem>>, vector<16xf32>,
      tpu.vector_store %arg7[%parallel_loop3A_69, %parallel_loop3A_70], %broadcast_in_dim3A_3 {strides = array<i32>} : memref<32x1000xf32, #tpu.memory_space<vmem>>, vector<16xf32>,
      %parallel_loop3A_72 = arith.index_cast %parallel_loop3A_20 : i32 to index
      %parallel_loop3A_73 = arith.constant 272 : index
      %parallel_loop3A_74 = tpu.vector_load %arg7[%parallel_loop3A_72, %parallel_loop3A_73] {strides = array<i32>} : memref<32x1000xf32, #tpu.memory_space<vmem>>, vector<16xf32>,
      tpu.vector_store %arg7[%parallel_loop3A_72, %parallel_loop3A_73], %broadcast_in_dim3A_3 {strides = array<i32>} : memref<32x1000xf32, #tpu.memory_space<vmem>>, vector<16xf32>,
      %parallel_loop3A_75 = arith.index_cast %parallel_loop3A_20 : i32 to index
      %parallel_loop3A_76 = arith.constant 288 : index
      %parallel_loop3A_77 = tpu.vector_load %arg7[%parallel_loop3A_75, %parallel_loop3A_76] {strides = array<i32>} : memref<32x1000xf32, #tpu.memory_space<vmem>>, vector<16xf32>,
      tpu.vector_store %arg7[%parallel_loop3A_75, %parallel_loop3A_76], %broadcast_in_dim3A_3 {strides = array<i32>} : memref<32x1000xf32, #tpu.memory_space<vmem>>, vector<16xf32>,
      %parallel_loop3A_78 = arith.index_cast %parallel_loop3A_20 : i32 to index
      %parallel_loop3A_79 = arith.constant 304 : index
      %parallel_loop3A_80 = tpu.vector_load %arg7[%parallel_loop3A_78, %parallel_loop3A_79] {strides = array<i32>} : memref<32x1000xf32, #tpu.memory_space<vmem>>, vector<16xf32>,
      tpu.vector_store %arg7[%parallel_loop3A_78, %parallel_loop3A_79], %broadcast_in_dim3A_3 {strides = array<i32>} : memref<32x1000xf32, #tpu.memory_space<vmem>>, vector<16xf32>,
      %parallel_loop3A_81 = arith.index_cast %parallel_loop3A_20 : i32 to index
      %parallel_loop3A_82 = arith.constant 320 : index
      %parallel_loop3A_83 = tpu.vector_load %arg7[%parallel_loop3A_81, %parallel_loop3A_82] {strides = array<i32>} : memref<32x1000xf32, #tpu.memory_space<vmem>>, vector<16xf32>,
      tpu.vector_store %arg7[%parallel_loop3A_81, %parallel_loop3A_82], %broadcast_in_dim3A_3 {strides = array<i32>} : memref<32x1000xf32, #tpu.memory_space<vmem>>, vector<16xf32>,
      %parallel_loop3A_84 = arith.index_cast %parallel_loop3A_20 : i32 to index
      %parallel_loop3A_85 = arith.constant 336 : index
      %parallel_loop3A_86 = tpu.vector_load %arg7[%parallel_loop3A_84, %parallel_loop3A_85] {strides = array<i32>} : memref<32x1000xf32, #tpu.memory_space<vmem>>, vector<16xf32>,
      tpu.vector_store %arg7[%parallel_loop3A_84, %parallel_loop3A_85], %broadcast_in_dim3A_3 {strides = array<i32>} : memref<32x1000xf32, #tpu.memory_space<vmem>>, vector<16xf32>,
      %parallel_loop3A_87 = arith.index_cast %parallel_loop3A_20 : i32 to index
      %parallel_loop3A_88 = arith.constant 352 : index
      %parallel_loop3A_89 = tpu.vector_load %arg7[%parallel_loop3A_87, %parallel_loop3A_88] {strides = array<i32>} : memref<32x1000xf32, #tpu.memory_space<vmem>>, vector<16xf32>,
      tpu.vector_store %arg7[%parallel_loop3A_87, %parallel_loop3A_88], %broadcast_in_dim3A_3 {strides = array<i32>} : memref<32x1000xf32, #tpu.memory_space<vmem>>, vector<16xf32>,
      %parallel_loop3A_90 = arith.index_cast %parallel_loop3A_20 : i32 to index
      %parallel_loop3A_91 = arith.constant 368 : index
      %parallel_loop3A_92 = tpu.vector_load %arg7[%parallel_loop3A_90, %parallel_loop3A_91] {strides = array<i32>} : memref<32x1000xf32, #tpu.memory_space<vmem>>, vector<16xf32>,
      tpu.vector_store %arg7[%parallel_loop3A_90, %parallel_loop3A_91], %broadcast_in_dim3A_3 {strides = array<i32>} : memref<32x1000xf32, #tpu.memory_space<vmem>>, vector<16xf32>,
      %parallel_loop3A_93 = arith.index_cast %parallel_loop3A_20 : i32 to index
      %parallel_loop3A_94 = arith.constant 384 : index
      %parallel_loop3A_95 = tpu.vector_load %arg7[%parallel_loop3A_93, %parallel_loop3A_94] {strides = array<i32>} : memref<32x1000xf32, #tpu.memory_space<vmem>>, vector<16xf32>,
      tpu.vector_store %arg7[%parallel_loop3A_93, %parallel_loop3A_94], %broadcast_in_dim3A_3 {strides = array<i32>} : memref<32x1000xf32, #tpu.memory_space<vmem>>, vector<16xf32>,
      %parallel_loop3A_96 = arith.index_cast %parallel_loop3A_20 : i32 to index
      %parallel_loop3A_97 = arith.constant 400 : index
      %parallel_loop3A_98 = tpu.vector_load %arg7[%parallel_loop3A_96, %parallel_loop3A_97] {strides = array<i32>} : memref<32x1000xf32, #tpu.memory_space<vmem>>, vector<16xf32>,
      tpu.vector_store %arg7[%parallel_loop3A_96, %parallel_loop3A_97], %broadcast_in_dim3A_3 {strides = array<i32>} : memref<32x1000xf32, #tpu.memory_space<vmem>>, vector<16xf32>,
      %parallel_loop3A_99 = arith.index_cast %parallel_loop3A_20 : i32 to index
      %parallel_loop3A_100 = arith.constant 416 : index
      %parallel_loop3A_101 = tpu.vector_load %arg7[%parallel_loop3A_99, %parallel_loop3A_100] {strides = array<i32>} : memref<32x1000xf32, #tpu.memory_space<vmem>>, vector<16xf32>,
      tpu.vector_store %arg7[%parallel_loop3A_99, %parallel_loop3A_100], %broadcast_in_dim3A_3 {strides = array<i32>} : memref<32x1000xf32, #tpu.memory_space<vmem>>, vector<16xf32>,
      %parallel_loop3A_102 = arith.index_cast %parallel_loop3A_20 : i32 to index
      %parallel_loop3A_103 = arith.constant 432 : index
      %parallel_loop3A_104 = tpu.vector_load %arg7[%parallel_loop3A_102, %parallel_loop3A_103] {strides = array<i32>} : memref<32x1000xf32, #tpu.memory_space<vmem>>, vector<16xf32>,
      tpu.vector_store %arg7[%parallel_loop3A_102, %parallel_loop3A_103], %broadcast_in_dim3A_3 {strides = array<i32>} : memref<32x1000xf32, #tpu.memory_space<vmem>>, vector<16xf32>,
      %parallel_loop3A_105 = arith.index_cast %parallel_loop3A_20 : i32 to index
      %parallel_loop3A_106 = arith.constant 448 : index
      %parallel_loop3A_107 = tpu.vector_load %arg7[%parallel_loop3A_105, %parallel_loop3A_106] {strides = array<i32>} : memref<32x1000xf32, #tpu.memory_space<vmem>>, vector<16xf32>,
      tpu.vector_store %arg7[%parallel_loop3A_105, %parallel_loop3A_106], %broadcast_in_dim3A_3 {strides = array<i32>} : memref<32x1000xf32, #tpu.memory_space<vmem>>, vector<16xf32>,
      %parallel_loop3A_108 = arith.index_cast %parallel_loop3A_20 : i32 to index
      %parallel_loop3A_109 = arith.constant 464 : index
      %parallel_loop3A_110 = tpu.vector_load %arg7[%parallel_loop3A_108, %parallel_loop3A_109] {strides = array<i32>} : memref<32x1000xf32, #tpu.memory_space<vmem>>, vector<16xf32>,
      tpu.vector_store %arg7[%parallel_loop3A_108, %parallel_loop3A_109], %broadcast_in_dim3A_3 {strides = array<i32>} : memref<32x1000xf32, #tpu.memory_space<vmem>>, vector<16xf32>,
      %parallel_loop3A_111 = arith.index_cast %parallel_loop3A_20 : i32 to index
      %parallel_loop3A_112 = arith.constant 480 : index
      %parallel_loop3A_113 = tpu.vector_load %arg7[%parallel_loop3A_111, %parallel_loop3A_112] {strides = array<i32>} : memref<32x1000xf32, #tpu.memory_space<vmem>>, vector<16xf32>,
      tpu.vector_store %arg7[%parallel_loop3A_111, %parallel_loop3A_112], %broadcast_in_dim3A_3 {strides = array<i32>} : memref<32x1000xf32, #tpu.memory_space<vmem>>, vector<16xf32>,
      %parallel_loop3A_114 = arith.index_cast %parallel_loop3A_20 : i32 to index
      %parallel_loop3A_115 = arith.constant 496 : index
      %parallel_loop3A_116 = tpu.vector_load %arg7[%parallel_loop3A_114, %parallel_loop3A_115] {strides = array<i32>} : memref<32x1000xf32, #tpu.memory_space<vmem>>, vector<16xf32>,
      tpu.vector_store %arg7[%parallel_loop3A_114, %parallel_loop3A_115], %broadcast_in_dim3A_3 {strides = array<i32>} : memref<32x1000xf32, #tpu.memory_space<vmem>>, vector<16xf32>,
      %parallel_loop3A_117 = arith.index_cast %parallel_loop3A_20 : i32 to index
      %parallel_loop3A_118 = arith.constant 512 : index
      %parallel_loop3A_119 = tpu.vector_load %arg7[%parallel_loop3A_117, %parallel_loop3A_118] {strides = array<i32>} : memref<32x1000xf32, #tpu.memory_space<vmem>>, vector<16xf32>,
      tpu.vector_store %arg7[%parallel_loop3A_117, %parallel_loop3A_118], %broadcast_in_dim3A_3 {strides = array<i32>} : memref<32x1000xf32, #tpu.memory_space<vmem>>, vector<16xf32>,
      %parallel_loop3A_120 = arith.index_cast %parallel_loop3A_20 : i32 to index
      %parallel_loop3A_121 = arith.constant 528 : index
      %parallel_loop3A_122 = tpu.vector_load %arg7[%parallel_loop3A_120, %parallel_loop3A_121] {strides = array<i32>} : memref<32x1000xf32, #tpu.memory_space<vmem>>, vector<16xf32>,
      tpu.vector_store %arg7[%parallel_loop3A_120, %parallel_loop3A_121], %broadcast_in_dim3A_3 {strides = array<i32>} : memref<32x1000xf32, #tpu.memory_space<vmem>>, vector<16xf32>,
      %parallel_loop3A_123 = arith.index_cast %parallel_loop3A_20 : i32 to index
      %parallel_loop3A_124 = arith.constant 544 : index
      %parallel_loop3A_125 = tpu.vector_load %arg7[%parallel_loop3A_123, %parallel_loop3A_124] {strides = array<i32>} : memref<32x1000xf32, #tpu.memory_space<vmem>>, vector<16xf32>,
      tpu.vector_store %arg7[%parallel_loop3A_123, %parallel_loop3A_124], %broadcast_in_dim3A_3 {strides = array<i32>} : memref<32x1000xf32, #tpu.memory_space<vmem>>, vector<16xf32>,
      %parallel_loop3A_126 = arith.index_cast %parallel_loop3A_20 : i32 to index
      %parallel_loop3A_127 = arith.constant 560 : index
      %parallel_loop3A_128 = tpu.vector_load %arg7[%parallel_loop3A_126, %parallel_loop3A_127] {strides = array<i32>} : memref<32x1000xf32, #tpu.memory_space<vmem>>, vector<16xf32>,
      tpu.vector_store %arg7[%parallel_loop3A_126, %parallel_loop3A_127], %broadcast_in_dim3A_3 {strides = array<i32>} : memref<32x1000xf32, #tpu.memory_space<vmem>>, vector<16xf32>,
      %parallel_loop3A_129 = arith.index_cast %parallel_loop3A_20 : i32 to index
      %parallel_loop3A_130 = arith.constant 576 : index
      %parallel_loop3A_131 = tpu.vector_load %arg7[%parallel_loop3A_129, %parallel_loop3A_130] {strides = array<i32>} : memref<32x1000xf32, #tpu.memory_space<vmem>>, vector<16xf32>,
      tpu.vector_store %arg7[%parallel_loop3A_129, %parallel_loop3A_130], %broadcast_in_dim3A_3 {strides = array<i32>} : memref<32x1000xf32, #tpu.memory_space<vmem>>, vector<16xf32>,
      %parallel_loop3A_132 = arith.index_cast %parallel_loop3A_20 : i32 to index
      %parallel_loop3A_133 = arith.constant 592 : index
      %parallel_loop3A_134 = tpu.vector_load %arg7[%parallel_loop3A_132, %parallel_loop3A_133] {strides = array<i32>} : memref<32x1000xf32, #tpu.memory_space<vmem>>, vector<16xf32>,
      tpu.vector_store %arg7[%parallel_loop3A_132, %parallel_loop3A_133], %broadcast_in_dim3A_3 {strides = array<i32>} : memref<32x1000xf32, #tpu.memory_space<vmem>>, vector<16xf32>,
      %parallel_loop3A_135 = arith.index_cast %parallel_loop3A_20 : i32 to index
      %parallel_loop3A_136 = arith.constant 608 : index
      %parallel_loop3A_137 = tpu.vector_load %arg7[%parallel_loop3A_135, %parallel_loop3A_136] {strides = array<i32>} : memref<32x1000xf32, #tpu.memory_space<vmem>>, vector<16xf32>,
      tpu.vector_store %arg7[%parallel_loop3A_135, %parallel_loop3A_136], %broadcast_in_dim3A_3 {strides = array<i32>} : memref<32x1000xf32, #tpu.memory_space<vmem>>, vector<16xf32>,
      %parallel_loop3A_138 = arith.index_cast %parallel_loop3A_20 : i32 to index
      %parallel_loop3A_139 = arith.constant 624 : index
      %parallel_loop3A_140 = tpu.vector_load %arg7[%parallel_loop3A_138, %parallel_loop3A_139] {strides = array<i32>} : memref<32x1000xf32, #tpu.memory_space<vmem>>, vector<16xf32>,
      tpu.vector_store %arg7[%parallel_loop3A_138, %parallel_loop3A_139], %broadcast_in_dim3A_3 {strides = array<i32>} : memref<32x1000xf32, #tpu.memory_space<vmem>>, vector<16xf32>,
      %parallel_loop3A_141 = arith.index_cast %parallel_loop3A_20 : i32 to index
      %parallel_loop3A_142 = arith.constant 640 : index
      %parallel_loop3A_143 = tpu.vector_load %arg7[%parallel_loop3A_141, %parallel_loop3A_142] {strides = array<i32>} : memref<32x1000xf32, #tpu.memory_space<vmem>>, vector<16xf32>,
      tpu.vector_store %arg7[%parallel_loop3A_141, %parallel_loop3A_142], %broadcast_in_dim3A_3 {strides = array<i32>} : memref<32x1000xf32, #tpu.memory_space<vmem>>, vector<16xf32>,
      %parallel_loop3A_144 = arith.index_cast %parallel_loop3A_20 : i32 to index
      %parallel_loop3A_145 = arith.constant 656 : index
      %parallel_loop3A_146 = tpu.vector_load %arg7[%parallel_loop3A_144, %parallel_loop3A_145] {strides = array<i32>} : memref<32x1000xf32, #tpu.memory_space<vmem>>, vector<16xf32>,
      tpu.vector_store %arg7[%parallel_loop3A_144, %parallel_loop3A_145], %broadcast_in_dim3A_3 {strides = array<i32>} : memref<32x1000xf32, #tpu.memory_space<vmem>>, vector<16xf32>,
      %parallel_loop3A_147 = arith.index_cast %parallel_loop3A_20 : i32 to index
      %parallel_loop3A_148 = arith.constant 672 : index
      %parallel_loop3A_149 = tpu.vector_load %arg7[%parallel_loop3A_147, %parallel_loop3A_148] {strides = array<i32>} : memref<32x1000xf32, #tpu.memory_space<vmem>>, vector<16xf32>,
      tpu.vector_store %arg7[%parallel_loop3A_147, %parallel_loop3A_148], %broadcast_in_dim3A_3 {strides = array<i32>} : memref<32x1000xf32, #tpu.memory_space<vmem>>, vector<16xf32>,
      %parallel_loop3A_150 = arith.index_cast %parallel_loop3A_20 : i32 to index
      %parallel_loop3A_151 = arith.constant 688 : index
      %parallel_loop3A_152 = tpu.vector_load %arg7[%parallel_loop3A_150, %parallel_loop3A_151] {strides = array<i32>} : memref<32x1000xf32, #tpu.memory_space<vmem>>, vector<16xf32>,
      tpu.vector_store %arg7[%parallel_loop3A_150, %parallel_loop3A_151], %broadcast_in_dim3A_3 {strides = array<i32>} : memref<32x1000xf32, #tpu.memory_space<vmem>>, vector<16xf32>,
      %parallel_loop3A_153 = arith.index_cast %parallel_loop3A_20 : i32 to index
      %parallel_loop3A_154 = arith.constant 704 : index
      %parallel_loop3A_155 = tpu.vector_load %arg7[%parallel_loop3A_153, %parallel_loop3A_154] {strides = array<i32>} : memref<32x1000xf32, #tpu.memory_space<vmem>>, vector<16xf32>,
      tpu.vector_store %arg7[%parallel_loop3A_153, %parallel_loop3A_154], %broadcast_in_dim3A_3 {strides = array<i32>} : memref<32x1000xf32, #tpu.memory_space<vmem>>, vector<16xf32>,
      %parallel_loop3A_156 = arith.index_cast %parallel_loop3A_20 : i32 to index
      %parallel_loop3A_157 = arith.constant 720 : index
      %parallel_loop3A_158 = tpu.vector_load %arg7[%parallel_loop3A_156, %parallel_loop3A_157] {strides = array<i32>} : memref<32x1000xf32, #tpu.memory_space<vmem>>, vector<16xf32>,
      tpu.vector_store %arg7[%parallel_loop3A_156, %parallel_loop3A_157], %broadcast_in_dim3A_3 {strides = array<i32>} : memref<32x1000xf32, #tpu.memory_space<vmem>>, vector<16xf32>,
      %parallel_loop3A_159 = arith.index_cast %parallel_loop3A_20 : i32 to index
      %parallel_loop3A_160 = arith.constant 736 : index
      %parallel_loop3A_161 = tpu.vector_load %arg7[%parallel_loop3A_159, %parallel_loop3A_160] {strides = array<i32>} : memref<32x1000xf32, #tpu.memory_space<vmem>>, vector<16xf32>,
      tpu.vector_store %arg7[%parallel_loop3A_159, %parallel_loop3A_160], %broadcast_in_dim3A_3 {strides = array<i32>} : memref<32x1000xf32, #tpu.memory_space<vmem>>, vector<16xf32>,
      %parallel_loop3A_162 = arith.index_cast %parallel_loop3A_20 : i32 to index
      %parallel_loop3A_163 = arith.constant 752 : index
      %parallel_loop3A_164 = tpu.vector_load %arg7[%parallel_loop3A_162, %parallel_loop3A_163] {strides = array<i32>} : memref<32x1000xf32, #tpu.memory_space<vmem>>, vector<16xf32>,
      tpu.vector_store %arg7[%parallel_loop3A_162, %parallel_loop3A_163], %broadcast_in_dim3A_3 {strides = array<i32>} : memref<32x1000xf32, #tpu.memory_space<vmem>>, vector<16xf32>,
      %parallel_loop3A_165 = arith.index_cast %parallel_loop3A_20 : i32 to index
      %parallel_loop3A_166 = arith.constant 768 : index
      %parallel_loop3A_167 = tpu.vector_load %arg7[%parallel_loop3A_165, %parallel_loop3A_166] {strides = array<i32>} : memref<32x1000xf32, #tpu.memory_space<vmem>>, vector<16xf32>,
      tpu.vector_store %arg7[%parallel_loop3A_165, %parallel_loop3A_166], %broadcast_in_dim3A_3 {strides = array<i32>} : memref<32x1000xf32, #tpu.memory_space<vmem>>, vector<16xf32>,
      %parallel_loop3A_168 = arith.index_cast %parallel_loop3A_20 : i32 to index
      %parallel_loop3A_169 = arith.constant 784 : index
      %parallel_loop3A_170 = tpu.vector_load %arg7[%parallel_loop3A_168, %parallel_loop3A_169] {strides = array<i32>} : memref<32x1000xf32, #tpu.memory_space<vmem>>, vector<16xf32>,
      tpu.vector_store %arg7[%parallel_loop3A_168, %parallel_loop3A_169], %broadcast_in_dim3A_3 {strides = array<i32>} : memref<32x1000xf32, #tpu.memory_space<vmem>>, vector<16xf32>,
      %parallel_loop3A_171 = arith.index_cast %parallel_loop3A_20 : i32 to index
      %parallel_loop3A_172 = arith.constant 800 : index
      %parallel_loop3A_173 = tpu.vector_load %arg7[%parallel_loop3A_171, %parallel_loop3A_172] {strides = array<i32>} : memref<32x1000xf32, #tpu.memory_space<vmem>>, vector<16xf32>,
      tpu.vector_store %arg7[%parallel_loop3A_171, %parallel_loop3A_172], %broadcast_in_dim3A_3 {strides = array<i32>} : memref<32x1000xf32, #tpu.memory_space<vmem>>, vector<16xf32>,
      %parallel_loop3A_174 = arith.index_cast %parallel_loop3A_20 : i32 to index
      %parallel_loop3A_175 = arith.constant 816 : index
      %parallel_loop3A_176 = tpu.vector_load %arg7[%parallel_loop3A_174, %parallel_loop3A_175] {strides = array<i32>} : memref<32x1000xf32, #tpu.memory_space<vmem>>, vector<16xf32>,
      tpu.vector_store %arg7[%parallel_loop3A_174, %parallel_loop3A_175], %broadcast_in_dim3A_3 {strides = array<i32>} : memref<32x1000xf32, #tpu.memory_space<vmem>>, vector<16xf32>,
      %parallel_loop3A_177 = arith.index_cast %parallel_loop3A_20 : i32 to index
      %parallel_loop3A_178 = arith.constant 832 : index
      %parallel_loop3A_179 = tpu.vector_load %arg7[%parallel_loop3A_177, %parallel_loop3A_178] {strides = array<i32>} : memref<32x1000xf32, #tpu.memory_space<vmem>>, vector<16xf32>,
      tpu.vector_store %arg7[%parallel_loop3A_177, %parallel_loop3A_178], %broadcast_in_dim3A_3 {strides = array<i32>} : memref<32x1000xf32, #tpu.memory_space<vmem>>, vector<16xf32>,
      %parallel_loop3A_180 = arith.index_cast %parallel_loop3A_20 : i32 to index
      %parallel_loop3A_181 = arith.constant 848 : index
      %parallel_loop3A_182 = tpu.vector_load %arg7[%parallel_loop3A_180, %parallel_loop3A_181] {strides = array<i32>} : memref<32x1000xf32, #tpu.memory_space<vmem>>, vector<16xf32>,
      tpu.vector_store %arg7[%parallel_loop3A_180, %parallel_loop3A_181], %broadcast_in_dim3A_3 {strides = array<i32>} : memref<32x1000xf32, #tpu.memory_space<vmem>>, vector<16xf32>,
      %parallel_loop3A_183 = arith.index_cast %parallel_loop3A_20 : i32 to index
      %parallel_loop3A_184 = arith.constant 864 : index
      %parallel_loop3A_185 = tpu.vector_load %arg7[%parallel_loop3A_183, %parallel_loop3A_184] {strides = array<i32>} : memref<32x1000xf32, #tpu.memory_space<vmem>>, vector<16xf32>,
      tpu.vector_store %arg7[%parallel_loop3A_183, %parallel_loop3A_184], %broadcast_in_dim3A_3 {strides = array<i32>} : memref<32x1000xf32, #tpu.memory_space<vmem>>, vector<16xf32>,
      %parallel_loop3A_186 = arith.index_cast %parallel_loop3A_20 : i32 to index
      %parallel_loop3A_187 = arith.constant 880 : index
      %parallel_loop3A_188 = tpu.vector_load %arg7[%parallel_loop3A_186, %parallel_loop3A_187] {strides = array<i32>} : memref<32x1000xf32, #tpu.memory_space<vmem>>, vector<16xf32>,
      tpu.vector_store %arg7[%parallel_loop3A_186, %parallel_loop3A_187], %broadcast_in_dim3A_3 {strides = array<i32>} : memref<32x1000xf32, #tpu.memory_space<vmem>>, vector<16xf32>,
      %parallel_loop3A_189 = arith.index_cast %parallel_loop3A_20 : i32 to index
      %parallel_loop3A_190 = arith.constant 896 : index
      %parallel_loop3A_191 = tpu.vector_load %arg7[%parallel_loop3A_189, %parallel_loop3A_190] {strides = array<i32>} : memref<32x1000xf32, #tpu.memory_space<vmem>>, vector<16xf32>,
      tpu.vector_store %arg7[%parallel_loop3A_189, %parallel_loop3A_190], %broadcast_in_dim3A_3 {strides = array<i32>} : memref<32x1000xf32, #tpu.memory_space<vmem>>, vector<16xf32>,
      %parallel_loop3A_192 = arith.index_cast %parallel_loop3A_20 : i32 to index
      %parallel_loop3A_193 = arith.constant 912 : index
      %parallel_loop3A_194 = tpu.vector_load %arg7[%parallel_loop3A_192, %parallel_loop3A_193] {strides = array<i32>} : memref<32x1000xf32, #tpu.memory_space<vmem>>, vector<16xf32>,
      tpu.vector_store %arg7[%parallel_loop3A_192, %parallel_loop3A_193], %broadcast_in_dim3A_3 {strides = array<i32>} : memref<32x1000xf32, #tpu.memory_space<vmem>>, vector<16xf32>,
      %parallel_loop3A_195 = arith.index_cast %parallel_loop3A_20 : i32 to index
      %parallel_loop3A_196 = arith.constant 928 : index
      %parallel_loop3A_197 = tpu.vector_load %arg7[%parallel_loop3A_195, %parallel_loop3A_196] {strides = array<i32>} : memref<32x1000xf32, #tpu.memory_space<vmem>>, vector<16xf32>,
      tpu.vector_store %arg7[%parallel_loop3A_195, %parallel_loop3A_196], %broadcast_in_dim3A_3 {strides = array<i32>} : memref<32x1000xf32, #tpu.memory_space<vmem>>, vector<16xf32>,
      %parallel_loop3A_198 = arith.index_cast %parallel_loop3A_20 : i32 to index
      %parallel_loop3A_199 = arith.constant 944 : index
      %parallel_loop3A_200 = tpu.vector_load %arg7[%parallel_loop3A_198, %parallel_loop3A_199] {strides = array<i32>} : memref<32x1000xf32, #tpu.memory_space<vmem>>, vector<16xf32>,
      tpu.vector_store %arg7[%parallel_loop3A_198, %parallel_loop3A_199], %broadcast_in_dim3A_3 {strides = array<i32>} : memref<32x1000xf32, #tpu.memory_space<vmem>>, vector<16xf32>,
      %parallel_loop3A_201 = arith.index_cast %parallel_loop3A_20 : i32 to index
      %parallel_loop3A_202 = arith.constant 960 : index
      %parallel_loop3A_203 = tpu.vector_load %arg7[%parallel_loop3A_201, %parallel_loop3A_202] {strides = array<i32>} : memref<32x1000xf32, #tpu.memory_space<vmem>>, vector<16xf32>,
      tpu.vector_store %arg7[%parallel_loop3A_201, %parallel_loop3A_202], %broadcast_in_dim3A_3 {strides = array<i32>} : memref<32x1000xf32, #tpu.memory_space<vmem>>, vector<16xf32>,
      %parallel_loop3A_204 = arith.index_cast %parallel_loop3A_20 : i32 to index
      %parallel_loop3A_205 = arith.constant 976 : index
      %parallel_loop3A_206 = tpu.vector_load %arg7[%parallel_loop3A_204, %parallel_loop3A_205] {strides = array<i32>} : memref<32x1000xf32, #tpu.memory_space<vmem>>, vector<16xf32>,
      tpu.vector_store %arg7[%parallel_loop3A_204, %parallel_loop3A_205], %broadcast_in_dim3A_3 {strides = array<i32>} : memref<32x1000xf32, #tpu.memory_space<vmem>>, vector<16xf32>,
      %parallel_loop3A_207 = arith.index_cast %parallel_loop3A_20 : i32 to index
      %parallel_loop3A_208 = arith.constant 984 : index
      %parallel_loop3A_209 = tpu.vector_load %arg7[%parallel_loop3A_207, %parallel_loop3A_208] {strides = array<i32>} : memref<32x1000xf32, #tpu.memory_space<vmem>>, vector<16xf32>,
      tpu.vector_store %arg7[%parallel_loop3A_207, %parallel_loop3A_208], %broadcast_in_dim3A_3 {strides = array<i32>} : memref<32x1000xf32, #tpu.memory_space<vmem>>, vector<16xf32>,
    } {sc.loop_unroll_factor = 2 : i64, sc.parallel_access}
    %iota3A = tpu.iota {dimensions = array<i32: 0>} : vector<16xi32>
    %add3A_8 = arith.constant 0 : i32
    %add3A_9 = vector.broadcast %add3A_8 : i32 to vector<16xi32>
    %add3A_10 = arith.addi %iota3A, %add3A_9 : vector<16xi32>
    %add3A_11 = arith.constant 16 : i32
    %add3A_12 = vector.broadcast %add3A_11 : i32 to vector<16xi32>
    %add3A_13 = arith.addi %iota3A, %add3A_12 : vector<16xi32>
    %parallel_loop3A_14 = arith.constant 0 : i32
    %parallel_loop3A_15 = arith.constant 200 : i32
    %parallel_loop3A_16 = arith.constant 1 : i32
    scf.for %parallel_loop3A_20 = %parallel_loop3A_14 to %parallel_loop3A_15 step %parallel_loop3A_16  : i32 {
      %parallel_loop3A_21 = vector.broadcast %parallel_loop3A_20 : i32 to vector<16xi32>
      %parallel_loop3A_22 = tpu.vector_load_idx %arg5[%add3A_10, %parallel_loop3A_21] : memref<32x200xi32, #tpu.memory_space<vmem>>[vector<16xi32>, vector<16xi32>], vector<16xi32>,
      tpu.vector_store_idx %arg7[%add3A_10, %parallel_loop3A_22], %broadcast_in_dim3A_5 {add = true} : memref<32x1000xf32, #tpu.memory_space<vmem>>[vector<16xi32>, vector<16xi32>], vector<16xf32>,
      %parallel_loop3A_23 = tpu.vector_load_idx %arg5[%add3A_13, %parallel_loop3A_21] : memref<32x200xi32, #tpu.memory_space<vmem>>[vector<16xi32>, vector<16xi32>], vector<16xi32>,
      tpu.vector_store_idx %arg7[%add3A_13, %parallel_loop3A_23], %broadcast_in_dim3A_5 {add = true} : memref<32x1000xf32, #tpu.memory_space<vmem>>[vector<16xi32>, vector<16xi32>], vector<16xf32>,
    } {sc.loop_unroll_factor = 16 : i64, sc.parallel_access}
    %parallel_loop3A_17 = arith.constant 0 : i32
    %parallel_loop3A_18 = arith.constant 100 : i32
    %parallel_loop3A_19 = arith.constant 1 : i32
    scf.for %parallel_loop3A_20 = %parallel_loop3A_17 to %parallel_loop3A_18 step %parallel_loop3A_19  : i32 {
      %parallel_loop3A_21 = vector.broadcast %parallel_loop3A_20 : i32 to vector<16xi32>
      %parallel_loop3A_22 = tpu.vector_load_idx %arg6[%add3A_10, %parallel_loop3A_21] : memref<32x100xi32, #tpu.memory_space<vmem>>[vector<16xi32>, vector<16xi32>], vector<16xi32>,
      tpu.vector_store_idx %arg7[%add3A_10, %parallel_loop3A_22], %broadcast_in_dim3A_3 : memref<32x1000xf32, #tpu.memory_space<vmem>>[vector<16xi32>, vector<16xi32>], vector<16xf32>,
      %parallel_loop3A_23 = tpu.vector_load_idx %arg6[%add3A_13, %parallel_loop3A_21] : memref<32x100xi32, #tpu.memory_space<vmem>>[vector<16xi32>, vector<16xi32>], vector<16xi32>,
      tpu.vector_store_idx %arg7[%add3A_13, %parallel_loop3A_23], %broadcast_in_dim3A_3 : memref<32x1000xf32, #tpu.memory_space<vmem>>[vector<16xi32>, vector<16xi32>], vector<16xf32>,
    } {sc.loop_unroll_factor = 10 : i64, sc.parallel_access}
    "tpu.region"() ({
      %run_scoped3A = tpu.sem_alloc : memref<!tpu.dma_semaphore, #tpu.memory_space<semaphore_mem>>
      %dma_start3A = arith.constant 0 : i32
      %dma_start3A_20 = tpu.memref_slice %arg4[%mul3A_2, %dma_start3A] : memref<1024x1000xf32, #tpu.memory_space<hbm>> -> memref<32x1000xf32, #tpu.memory_space<hbm>>
      %dma_start3A_21 = arith.constant 0 : i32
      %dma_start3A_22 = tpu.memref_slice %arg4[%mul3A_2, %dma_start3A_21] : memref<1024x1000xf32, #tpu.memory_space<hbm>> -> memref<32x1000xf32, #tpu.memory_space<hbm>>
      tpu.enqueue_dma source(%arg7 : memref<32x1000xf32, #tpu.memory_space<vmem>>) target(%dma_start3A_22 : memref<32x1000xf32, #tpu.memory_space<hbm>>) target_semaphore(%run_scoped3A : memref<!tpu.dma_semaphore, #tpu.memory_space<semaphore_mem>>)
      %dma_wait3A = arith.constant 0 : i32
      %dma_wait3A_23 = tpu.memref_slice %arg4[%mul3A_2, %dma_wait3A] : memref<1024x1000xf32, #tpu.memory_space<hbm>> -> memref<32x1000xf32, #tpu.memory_space<hbm>>
      %dma_wait3A_24 = arith.constant 0 : i32
      %dma_wait3A_25 = tpu.memref_slice %arg4[%mul3A_2, %dma_wait3A_24] : memref<1024x1000xf32, #tpu.memory_space<hbm>> -> memref<32x1000xf32, #tpu.memory_space<hbm>>
      tpu.wait_dma2 semaphore(%run_scoped3A : memref<!tpu.dma_semaphore, #tpu.memory_space<semaphore_mem>>) src(%arg7 : memref<32x1000xf32, #tpu.memory_space<vmem>>) dst(%dma_wait3A_25 : memref<32x1000xf32, #tpu.memory_space<hbm>>)
      tpu.yield
    }) : () -> ()
    return
  }
}

module attributes {stable_mosaic.version = 14 : i64} {
  func.func @_matmul_body(%arg0: i32, %arg1: memref<128x1000xf32, #tpu.memory_space<vmem>>, %arg2: memref<1000x1000xf32, #tpu.memory_space<vmem>>, %arg3: memref<128x1000xf32, #tpu.memory_space<vmem>>) attributes {dimension_semantics = [#tpu.dimension_semantics<arbitrary>], iteration_bounds = array<i64: 8>, scalar_prefetch = 0 : i64, scratch_operands = 0 : i64, tpu.core_type = #tpu.core_type<tc>, window_params = [{transform_indices = @transform_0, window_bounds = array<i64: 128, 1000>}, {pipeline_mode = #tpu.pipeline_mode<synchronous>, transform_indices = @transform_1, window_bounds = array<i64: 1000, 1000>}, {transform_indices = @transform_2, window_bounds = array<i64: 128, 1000>}]} {
    %get3A = arith.constant 0 : index
    %get3A_0 = arith.constant 0 : index
    %get3A_1 = vector.load %arg1[%get3A, %get3A_0] : memref<128x1000xf32, #tpu.memory_space<vmem>>, vector<128x1000xf32>
    %get3A_2 = arith.constant 0 : index
    %get3A_3 = arith.constant 0 : index
    %get3A_4 = vector.load %arg2[%get3A_2, %get3A_3] : memref<1000x1000xf32, #tpu.memory_space<vmem>>, vector<1000x1000xf32>
    %dot_general3A = arith.constant dense<0.000000e+00> : vector<128x1000xf32>
    %dot_general3A_5 = tpu.matmul %get3A_1, %get3A_4, %dot_general3A {dimension_numbers = #tpu.dot_dimension_numbers<[1], [1], [0], [0], [0, 0, 1, 0], [], []>, transpose_lhs_hint = false} : vector<128x1000xf32>, vector<1000x1000xf32>, vector<128x1000xf32> -> vector<128x1000xf32>
    %swap3A = arith.constant 0 : index
    %swap3A_6 = arith.constant 0 : index
    %swap3A_7 = vector.load %arg3[%swap3A, %swap3A_6] : memref<128x1000xf32, #tpu.memory_space<vmem>>, vector<128x1000xf32>
    tpu.vector_store %arg3[%swap3A, %swap3A_6], %dot_general3A_5 {strides = array<i32>} : memref<128x1000xf32, #tpu.memory_space<vmem>>, vector<128x1000xf32>,
    return
  }
  func.func @transform_0(%arg0: i32) -> (i32, i32) {
    %c0_i32 = arith.constant 0 : i32
    %c0_i32_0 = arith.constant 0 : i32
    return %arg0, %c0_i32 : i32, i32
  }
  func.func @transform_1(%arg0: i32) -> (i32, i32) {
    %c0_i32 = arith.constant 0 : i32
    %c0_i32_0 = arith.constant 0 : i32
    %c0_i32_1 = arith.constant 0 : i32
    return %c0_i32, %c0_i32_0 : i32, i32
  }
  func.func @transform_2(%arg0: i32) -> (i32, i32) {
    %c0_i32 = arith.constant 0 : i32
    %c0_i32_0 = arith.constant 0 : i32
    return %arg0, %c0_i32 : i32, i32
  }
}

</mosaic_0001>

<sc_bundles>
// kernel: kernel.5.cloned.1.call-start
scs
__scs_entry_jumppad:
0x0: {  	(pc) =	sbr.rel $0x88, $3  }
0x1: {  	(tag) =	ssettag $0x0;
	lr =	simm.s32 $0x1  }
0x2: {  	[smem:$0x3F9E] =	sst lr;
	_ =	strace $0xD0000000  }
0x3: {  	_ = 	snop  }
0x4: {  	_ = 	snop  }
0x5: {  	_ = 	snop  }
0x6: {  	_ = 	snop  }
0x7: {  	_ = 	snop  }
__scs_overlays_trampoline_lowered:
0x8: {  	[smem:$0x3FAD] =	sst s0  }
0x9: {  	[smem:$0x3FAE] =	sst s1  }
0xa: {  	[smem:$0x3FAF] =	sst s2  }
0xb: {  	[smem:$0x3FB0] =	sst s3  }
0xc: {  	[smem:$0x3FB1] =	sst s4  }
0xd: {  	[smem:$0x3FB2] =	sst s5  }
0xe: {  	[smem:$0x3FB3] =	sst s6  }
0xf: {  	[smem:$0x3FB4] =	sst s7  }
0x10: {  	[smem:$0x3FB5] =	sst s8  }
0x11: {  	[smem:$0x3FB6] =	sst s9;
	s0 =	simm.s32 @!p0 $0x0  }
0x12: {  	s1 =	sld [smem:$0x3F9C];
	s0 =	simm.s32 @p0 $0x1  }
0x13: {  	[smem:$0x3FB7] =	sst s0;
	s0 =	simm.s32 @!p1 $0x0  }
0x14: {  	s2 =	sld [smem:$0x3F9B];
	s0 =	simm.s32 @p1 $0x1  }
0x15: {  	[smem:$0x3FB8] =	sst s0;
	s0 =	simm.s32 @!p2 $0x0  }
0x16: {  	s3 =	sld [smem:$0x3FDB];
	s0 =	simm.s32 @p2 $0x1  }
0x17: {  	s4 =	simm.s32 $0x1BF5;
	[smem:$0x3FBA] =	sst s0  }
0x18: {  	s0 =	sld [smem:$0x3F9D];
	_ =	swait.ge [sflag:s4], $0x0  }
0x19: {  	s7 =	sld [smem:$0x3F9E]  }
0x1a: {  	s8 =	sadd.s32 $0xFFFFE003, lr  }
0x1b: {  	s9 =	sadd.s32 $0xFFFFFEF7, lr;
	s5 =	simm.s32 $0xFFFFFFFF;
	p2 =	slt.u32 s8, $0xFFFFF086  }
0x1c: {  	p1 =	slt.u32 s9, $0xF7A;
	s5 =	simm.s32 @!p2 $0x0  }
0x1d: {  	s5 =	simm.s32 @p1 $0x1;
	p0 =	seq.s32 s7, s2  }
0x1e: {  	s7 =	smul.u32 @!p0 $0xF7A, s2;
	p2 =	seq.s32 @!p0 s5, $0x0  }
0x1f: {  	s9 =	smul.u32 $0xF7A, s1;
	s8 =	simm.s32 @!p0 $0x1BF5;
	p2 =	por !p2, p0  }
0x20: {  	[sflag:s8] =	ssyncset.s32 @!p0 $0xFFFFF086;
	s6 =	sadd.s32 @!p0 s3, s7;
	s7 =	simm.s32 @!p0 $0x108  }
0x21: {  	s3 =	sadd.s32 s3, s9;
	s6 =	sadd.s32 @!p0 $0x88, s6;
	s7 =	simm.s32 @p2 $0x1082  }
0x22: {  	[simem:s7], [sflag:s8] =	dma.local @!p0 [hbm:s6], $0xF7A  }
0x23: {  	s9 =	sor.u32 $0xD0000000, s2;
	s6 =	simm.s32 $0x108;
	_ =	swait.ge @!p0 [sflag:s8], $0x0  }
0x24: {  	s3 =	sadd.s32 $0x88, s3;
	s6 =	simm.s32 @!p1 $0x1082;
	[sflag:s4] =	ssyncset.s32 $0xFFFFF086  }
0x25: {  	[simem:s6], [sflag:s4] =	dma.local [hbm:s3], $0xF7A  }
0x26: {  	[smem:$0x3F9E] =	sst s1;
	(tag) =	ssettag s2;
	_ =	strace s9  }
0x27: {  	s1 =	sld [smem:$0x3FAE]  }
0x28: {  	s2 =	sld [smem:$0x3FAF]  }
0x29: {  	s4 =	sld [smem:$0x3FB1]  }
0x2a: {  	p0 =	seq.s32 s5, $0x0;
	s5 =	sld [smem:$0x3FB2]  }
0x2b: {  	s6 =	sld [smem:$0x3FB3]  }
0x2c: {  	s7 =	sld [smem:$0x3FB4]  }
0x2d: {  	s3 =	simm.s32 $0x108;
	s8 =	sld [smem:$0x3FB5]  }
0x2e: {  	s3 =	simm.s32 @!p0 $0x1082;
	s9 =	sld [smem:$0x3FB6]  }
0x2f: {  	lr =	sadd.s32 s0, s3;
	s0 =	sld [smem:$0x3FAD]  }
0x30: {  	s3 =	sld [smem:$0x3FB0]  }
0x31: {  	[smem:$0x3FB9] =	sst s10  }
0x32: {  	s10 =	sld [smem:$0x3FB7];
	_ =	sdelay $0x3  }
0x33: {  	p0 =	seq.s32 s10, $0x1;
	s10 =	sld [smem:$0x3FB9];
	_ =	sdelay $0x3  }
0x34: {  	[smem:$0x3FB9] =	sst s10  }
0x35: {  	s10 =	sld [smem:$0x3FB8];
	_ =	sdelay $0x3  }
0x36: {  	p1 =	seq.s32 s10, $0x1;
	s10 =	sld [smem:$0x3FB9];
	_ =	sdelay $0x3  }
0x37: {  	[smem:$0x3FB9] =	sst s10  }
0x38: {  	s10 =	sld [smem:$0x3FBA]  }
0x39: {  	_ = 	snop;
	(pc) =	sbr.ind lr, $3  }
0x3a: {  	_ = 	snop  }
0x3b: {  	_ = 	snop  }
0x3c: {  	p2 =	seq.s32 s10, $0x1;
	s10 =	sld [smem:$0x3FB9]  }
0x3d: {  	_ =	shalt  }
0x3e: {  	_ =	shalt  }
0x3f: {  	_ =	shalt  }
0x40: {  	_ =	shalt  }
0x41: {  	_ =	shalt  }
0x42: {  	_ =	shalt  }
0x43: {  	_ =	shalt  }
0x44: {  	_ =	shalt  }
0x45: {  	_ =	shalt  }
0x46: {  	_ =	shalt  }
0x47: {  	_ =	shalt  }
0x48: {  	_ =	shalt  }
0x49: {  	_ =	shalt  }
0x4a: {  	_ =	shalt  }
0x4b: {  	_ =	shalt  }
0x4c: {  	_ =	shalt  }
0x4d: {  	_ =	shalt  }
0x4e: {  	_ =	shalt  }
0x4f: {  	_ =	shalt  }
0x50: {  	_ =	shalt  }
0x51: {  	_ =	shalt  }
0x52: {  	_ =	shalt  }
0x53: {  	_ =	shalt  }
0x54: {  	_ =	shalt  }
0x55: {  	_ =	shalt  }
0x56: {  	_ =	shalt  }
0x57: {  	_ =	shalt  }
0x58: {  	_ =	shalt  }
0x59: {  	_ =	shalt  }
0x5a: {  	_ =	shalt  }
0x5b: {  	_ =	shalt  }
0x5c: {  	_ =	shalt  }
0x5d: {  	_ =	shalt  }
0x5e: {  	_ =	shalt  }
0x5f: {  	_ =	shalt  }
0x60: {  	_ =	shalt  }
0x61: {  	_ =	shalt  }
0x62: {  	_ =	shalt  }
0x63: {  	_ =	shalt  }
0x64: {  	_ =	shalt  }
0x65: {  	_ =	shalt  }
0x66: {  	_ =	shalt  }
0x67: {  	_ =	shalt  }
0x68: {  	_ =	shalt  }
0x69: {  	_ =	shalt  }
0x6a: {  	_ =	shalt  }
0x6b: {  	_ =	shalt  }
0x6c: {  	_ =	shalt  }
0x6d: {  	_ =	shalt  }
0x6e: {  	_ =	shalt  }
0x6f: {  	_ =	shalt  }
0x70: {  	_ =	shalt  }
0x71: {  	_ =	shalt  }
0x72: {  	_ =	shalt  }
0x73: {  	_ =	shalt  }
0x74: {  	_ =	shalt  }
0x75: {  	_ =	shalt  }
0x76: {  	_ =	shalt  }
0x77: {  	_ =	shalt  }
0x78: {  	_ =	shalt  }
0x79: {  	_ =	shalt  }
0x7a: {  	_ =	shalt  }
0x7b: {  	_ =	shalt  }
0x7c: {  	_ =	shalt  }
0x7d: {  	_ =	shalt  }
0x7e: {  	_ =	shalt  }
0x7f: {  	_ =	shalt  }
0x80: {  	_ =	shalt  }
0x81: {  	_ =	shalt  }
0x82: {  	_ =	shalt  }
0x83: {  	_ =	shalt  }
0x84: {  	_ =	shalt  }
0x85: {  	_ =	shalt  }
0x86: {  	_ =	shalt  }
0x87: {  	_ =	shalt  }
.Lfunc_end0:
.L_simem_size_0:
called_computation_lowered:
.L_overlay_start_0:
0x88: {  	s2 =	sld [smem:$0x3FD9]  }
0x89: {  	s3 =	sld [smem:$0x3FFE];
	_ =	sdelay $0x1  }
0x8a: {  	s1 =	srdreg.scid  }
0x8b: {  	s0 =	sand.u32 $0x1, s1  }
0x8c: {  	s16 =	sshll.u32 s0, $0xA;
	s2 =	sadd.s32 s3, s2  }
0x8d: {  	s2 =	sadd.s32 s2, s16  }
0x8e: {  	[smem:$0x3FC5] =	sst s2  }
0x8f: {  	_ = 	snop  }
0x90: {  	(tm) =	ssettm $0x1  }
0x91: {  	s17 =	sld [smem:$0x3FFB];
	_ =	sdelay $0x3  }
0x92: {  	_ =	strace s17  }
0x93: {  	s2 =	sld [smem:$0x3FFC];
	_ =	sdelay $0x3  }
0x94: {  	_ =	strace s2  }
0x95: {  	s2 =	sld [smem:$0x3FFD];
	_ =	sdelay $0x3  }
0x96: {  	_ =	strace s2  }
0x97: {  	_ =	strace $0x8FFFFFFF  }
0x98: {  	s18 =	sld [smem:$0x3FDB];
	_ =	sdelay $0x1  }
0x99: {  	s19 =	simm.s32 $_scs_section_size  }
0x9a: {  	s4 =	simm.s32 $_size__tile_overlayer_lowered;
	s5 =	simm.s32 $_tile_overlayer_lowered  }
0x9b: {  	s22 =	simm.s32 $0x1BFF;
	s21 =	sshll.u32 s5, $0x1;
	s2 =	sadd.s32 s19, s18  }
0x9c: {  	s6 =	simm.s32 $0x0;
	s20 =	sshll.u32 s4, $0x1;
	s4 =	sadd.s32 s21, s2  }
0x9d: {  	[timem:s6], [sflag:s22] =	dma.local [hbm:s4], s20  }
0x9e: {  	_ =	swait.ge [sflag:s22], s20  }
0x9f: {  	s3 =	ssub.s32 $0x0, s20;
	[sflag:s22] =	ssyncset.done $0x0  }
0xa0: {  	[sflag:s22] =	ssyncadd.s32 s3;
	_ =	sdelay $0x1  }
0xa1: {  	s23 =	simm.s32 $0x1B8B  }
0xa2: {  	_ =	swait.ge [sflag:s23], $0x1  }
0xa3: {  	[sflag:s23] =	ssyncset.done $0x0  }
0xa4: {  	s25 =	simm.s32 $0x1B8E;
	s24 =	sld [smem:$0x3FFE];
	[sflag:s23] =	ssyncadd.s32 $0xFFFFFFFF  }
0xa5: {  	s26 =	simm.s32 $execute0_lowered;
	[smem:$0x3FD2] =	sst s25  }
0xa6: {  	s4 =	sshll.u32 s26, $0x1;
	_ =	strace $0x80000046;
	[dreg:$0x1] =	wrdreg $0xFFFFFFFF  }
0xa7: {  	s28 =	simm.s32 $_size_execute0_lowered;
	s2 =	sadd.s32 s2, s4;
	[dreg:$0x0] =	wrdreg $0x0  }
0xa8: {  	s4 =	sshll.u32 s28, $0x1;
	[dreg:$0x2] =	wrdreg s2  }
0xa9: {  	[dreg:$0x3] =	wrdreg s4  }
0xaa: {  	[dreg:$0x4] =	wrdreg $0xC0  }
0xab: {  	_ =	task [dreg:s6], $0x5FFFF  }
0xac: {  	[dreg:$0x1] =	wrdreg $0xFFFFFFFF  }
0xad: {  	[dreg:$0x0] =	wrdreg $0x60  }
0xae: {  	[dreg:$0x2] =	wrdreg s24  }
0xaf: {  	[dreg:$0x3] =	wrdreg $0x9  }
0xb0: {  	_ =	task.clear_ibuf [dreg:s6], $0x4FFFF;
	_ =	strace $0x90000046  }
0xb1: {  	s29 =	simm.s32 $0x9;
	_ =	strace $0x80000048  }
0xb2: {  	_ =	swait.ge [sflag:s29], $0x1  }
0xb3: {  	[sflag:s29] =	ssyncadd.s32 $0xFFFFFFFF  }
0xb4: {  	_ =	strace $0x90000048  }
0xb5: {  	_ =	sfence  }
0xb6: {  	s30 =	sld [smem:$0x0];
	_ =	sdelay $0x2  }
0xb7: {  	s31 =	sshll.u32 s1, $0xD;
	s1 =	sshrl.u32 s1, $0x2  }
0xb8: {  	s3 =	sand.u32 $0x4000, s31;
	s1 =	sadd.s32 s1, s30  }
0xb9: {  	s0 =	sor.u32 s3, s0;
	s1 =	sshll.u32 s1, $0x11  }
0xba: {  	s0 =	sor.u32 s1, s0  }
0xbb: {  	s0 =	sadd.s32 $0x8F2B, s0  }
0xbc: {  	[sflag:s0] =	ssyncadd.remote.s32 $0x1  }
0xbd: {  	_ =	sfence.sel $0xFFFF  }
0xbe: {  	[dreg:$0x0] =	wrdreg $0xFFFFFFFF;
	(pc) =	sbr.abs _section_cstart, $3  }
0xbf: {  	[dreg:$0x1] =	wrdreg $0xFFFFFFFF  }
0xc0: {  	_ =	task.clear_ibuf [dreg:s6], $0x2FFFF;
	_ =	strace $0x9FFFFFFF  }
0xc1: {  	(tm) =	ssettm $0x7FFFFFFF  }
tec
execute0_lowered:
.L_overlay_start_1:
0x0: {  	(tag) =	ssettag $0x1  }
0x1: {  	v0 =	vimm.s32 $0xB80;
	vm14 =	vcmask $0x300  }
0x2: {  	vm13 =	vcmask $0x704;
	v0 =	vsel vm14, $0x0, v0  }
0x3: {  	vm12 =	vcmask $0xB08;
	v0 =	vsel vm13, $0x80, v0  }
0x4: {  	vm11 =	vcmask $0xF0C;
	v0 =	vsel vm12, $0x100, v0  }
0x5: {  	vm10 =	vcmask $0x1310;
	v0 =	vsel vm11, $0x180, v0  }
0x6: {  	vm9 =	vcmask $0x1714;
	v0 =	vsel vm10, $0x200, v0  }
0x7: {  	vm8 =	vcmask $0x1B18;
	v0 =	vsel vm9, $0x280, v0  }
0x8: {  	vm7 =	vcmask $0x1F1C;
	v0 =	vsel vm8, $0x300, v0  }
0x9: {  	vm6 =	vcmask $0x2320;
	v0 =	vsel vm7, $0x380, v0  }
0xa: {  	vm5 =	vcmask $0x2724;
	v0 =	vsel vm6, $0x800, v0  }
0xb: {  	vm4 =	vcmask $0x2B28;
	vm3 =	vcmask $0x2F2C;
	v0 =	vsel vm5, $0x880, v0  }
0xc: {  	vm2 =	vcmask $0x3330;
	vm1 =	vcmask $0x3734;
	v0 =	vsel vm4, $0x900, v0  }
0xd: {  	v1 =	vimm.s32 $0x2380;
	v4 =	vimm.s32 $0x6380;
	v0 =	vsel vm3, $0x980, v0  }
0xe: {  	vm0 =	vcmask $0x3B38;
	v4 =	vsel vm14, $0x4000, v4;
	v0 =	vsel vm2, $0xA00, v0  }
0xf: {  	v3 =	vsel vm14, $0x0, v1;
	v4 =	vsel vm13, $0x4080, v4;
	v2 =	vsel vm1, $0xA80, v0  }
0x10: {  	v1 =	vsel vm0, $0xB00, v2;
	v2 =	vsel vm13, $0x80, v3;
	v3 =	vimm.s32 $0x1B80  }
0x11: {  	v7 =	vlaneseq.u32;
	v4 =	vsel vm12, $0x4100, v4;
	v3 =	vsel vm14, $0x1000, v3  }
0x12: {  	v4 =	vsel vm11, $0x4180, v4;
	v2 =	vsel vm12, $0x100, v2;
	v3 =	vsel vm13, $0x1080, v3  }
0x13: {  	v4 =	vsel vm10, $0x4200, v4;
	v2 =	vsel vm11, $0x180, v2;
	v3 =	vsel vm12, $0x1100, v3  }
0x14: {  	v4 =	vsel vm9, $0x4280, v4;
	v2 =	vsel vm10, $0x200, v2;
	v3 =	vsel vm11, $0x1180, v3  }
0x15: {  	v4 =	vsel vm8, $0x4300, v4;
	v2 =	vsel vm9, $0x280, v2;
	v3 =	vsel vm10, $0x1200, v3  }
0x16: {  	s1 =	srdreg.scid;
	v4 =	vsel vm7, $0x4380, v4;
	v2 =	vsel vm8, $0x300, v2;
	v3 =	vsel vm9, $0x1280, v3  }
0x17: {  	s0 =	stileid.u32;
	s3 =	rddreg [dreg:$0x0];
	s2 =	simm.s32 $0x0;
	v4 =	vsel vm6, $0x6000, v4;
	v2 =	vsel vm7, $0x380, v2;
	v3 =	vsel vm8, $0x1300, v3  }
0x18: {  	s8 =	simm.s32 $0x2000;
	s9 =	simm.s32 $0x3000;
	s1 =	sand.u32 $0x1, s1;
	v4 =	vsel vm5, $0x6080, v4;
	v2 =	vsel vm6, $0x2000, v2;
	v3 =	vsel vm7, $0x1380, v3  }
0x19: {  	s10 =	simm.s32 $0x0;
	s4 =	sshll.u32 s0, $0x6;
	s5 =	sshll.u32 s1, $0x5;
	v4 =	vsel vm4, $0x6100, v4;
	v2 =	vsel vm5, $0x2080, v2;
	v3 =	vsel vm6, $0x1800, v3  }
0x1a: {  	[smem:$0x7FF] =	sst s2;
	s1 =	ssub.s32 $0x2, s1;
	s4 =	sor.u32 s5, s4;
	v4 =	vsel vm3, $0x6180, v4;
	v2 =	vsel vm4, $0x2100, v2;
	v3 =	vsel vm5, $0x1880, v3  }
0x1b: {  	_ =	strace $0x80000047;
	s30 =	sshrl.u32 s1, $0x1;
	s5 =	sshll.u32 s4, $0x5;
	v4 =	vsel vm2, $0x6200, v4;
	v2 =	vsel vm3, $0x2180, v2;
	v3 =	vsel vm4, $0x1900, v3  }
0x1c: {  	s6 =	sshll.u32 s4, $0x4;
	s4 =	sshll.u32 s4, $0x7;
	s1 =	ssub.s32 s1, s30;
	v0 =	vimm.f32 $0.0e+00;
	v2 =	vsel vm2, $0x2200, v2;
	v5 =	vsel vm3, $0x1980, v3  }
0x1d: {  	s5 =	sadd.s32 s5, s3;
	s6 =	sadd.s32 s6, s3;
	s7 =	sadd.s32 s4, s3;
	v6 =	vsel vm1, $0x6280, v4;
	v2 =	vsel vm1, $0x2280, v2;
	v5 =	vsel vm2, $0x1A00, v5  }
0x1e: {  	s31 =	sadd.s32 $0x4E00, s5;
	s4 =	sadd.s32 $0xE00, s6;
	s5 =	sadd.s32 $0xCE00, s7;
	v3 =	vimm.f32 $1.000000000e+00;
	v2 =	vsel vm0, $0x2300, v2;
	v5 =	vsel vm1, $0x1A80, v5  }
0x1f: {  	s6 =	smax.u32 s1, $0x1;
	s7 =	simm.s32 $0x1;
	[dreg:$0x2] =	wrdreg s31;
	v4 =	vsel vm0, $0x1B00, v5;
	v5 =	vsel vm0, $0x6300, v6;
	v6 =	vmul.u32 $0x80, v7  }
.LBB2_1:
0x20: {  	s0 =	rddreg [dreg:$0x2]  }
0x21: {  	[tilespmem:s2], [sflag:$0x1] =	stream.linear.gather [hbm4b:s0+s2], $0x2000, $0x38;
	[tilespmem:$0xB000] =	vst v63  }
0x22: {  	_ =	swait.ge [sflag:s7], $0x2000  }
0x23: {  	[sflag:s7] =	ssyncset.done $0x0  }
0x24: {  	[sflag:s7] =	ssyncadd.s32 $0xFFFFE000  }
0x25: {  	[tilespmem:s8], [sflag:$0x1] =	stream.linear.gather [hbm4b:s4+s2], $0x1000, $0x38;
	[tilespmem:$0xB000] =	vst v63  }
0x26: {  	_ =	swait.ge [sflag:s7], $0x1000  }
0x27: {  	s1 =	sand.u32 $0x6000, s2;
	s11 =	sand.u32 $0x300, s2;
	[sflag:s7] =	ssyncset.done $0x0  }
0x28: {  	s1 =	sor.u32 s11, s1;
	[sflag:s7] =	ssyncadd.s32 $0xFFFFF000  }
0x29: {  	[tilespmem:s1+$0x3080] =	vst v0  }
0x2a: {  	[tilespmem:s1+$0x3090] =	vst v0  }
0x2b: {  	[tilespmem:s1+$0x30A0] =	vst v0  }
0x2c: {  	[tilespmem:s1+$0x30B0] =	vst v0  }
0x2d: {  	[tilespmem:s1+$0x30C0] =	vst v0  }
0x2e: {  	[tilespmem:s1+$0x30D0] =	vst v0  }
0x2f: {  	[tilespmem:s1+$0x30E0] =	vst v0  }
0x30: {  	[tilespmem:s1+$0x30F0] =	vst v0  }
0x31: {  	[tilespmem:s1+$0x3480] =	vst v0  }
0x32: {  	[tilespmem:s1+$0x3490] =	vst v0  }
0x33: {  	[tilespmem:s1+$0x34A0] =	vst v0  }
0x34: {  	[tilespmem:s1+$0x34B0] =	vst v0  }
0x35: {  	[tilespmem:s1+$0x34C0] =	vst v0  }
0x36: {  	[tilespmem:s1+$0x34D0] =	vst v0  }
0x37: {  	[tilespmem:s1+$0x34E0] =	vst v0  }
0x38: {  	[tilespmem:s1+$0x34F0] =	vst v0  }
0x39: {  	[tilespmem:s1+$0x3880] =	vst v0  }
0x3a: {  	[tilespmem:s1+$0x3890] =	vst v0  }
0x3b: {  	[tilespmem:s1+$0x38A0] =	vst v0  }
0x3c: {  	[tilespmem:s1+$0x38B0] =	vst v0  }
0x3d: {  	[tilespmem:s1+$0x38C0] =	vst v0  }
0x3e: {  	[tilespmem:s1+$0x38D0] =	vst v0  }
0x3f: {  	[tilespmem:s1+$0x38E0] =	vst v0  }
0x40: {  	[tilespmem:s1+$0x38F0] =	vst v0  }
0x41: {  	[tilespmem:s1+$0x3C80] =	vst v0  }
0x42: {  	[tilespmem:s1+$0x3C90] =	vst v0  }
0x43: {  	[tilespmem:s1+$0x3CA0] =	vst v0  }
0x44: {  	[tilespmem:s1+$0x3CB0] =	vst v0  }
0x45: {  	[tilespmem:s1+$0x3CC0] =	vst v0  }
0x46: {  	[tilespmem:s1+$0x3CD0] =	vst v0  }
0x47: {  	[tilespmem:s1+$0x3CE0] =	vst v0  }
0x48: {  	[tilespmem:s1+$0x3CF0] =	vst v0  }
0x49: {  	[tilespmem:s1+$0x4080] =	vst v0  }
0x4a: {  	[tilespmem:s1+$0x4090] =	vst v0  }
0x4b: {  	[tilespmem:s1+$0x40A0] =	vst v0  }
0x4c: {  	[tilespmem:s1+$0x40B0] =	vst v0  }
0x4d: {  	[tilespmem:s1+$0x40C0] =	vst v0  }
0x4e: {  	[tilespmem:s1+$0x40D0] =	vst v0  }
0x4f: {  	[tilespmem:s1+$0x40E0] =	vst v0  }
0x50: {  	[tilespmem:s1+$0x40F0] =	vst v0  }
0x51: {  	[tilespmem:s1+$0x4480] =	vst v0  }
0x52: {  	[tilespmem:s1+$0x4490] =	vst v0  }
0x53: {  	[tilespmem:s1+$0x44A0] =	vst v0  }
0x54: {  	[tilespmem:s1+$0x44B0] =	vst v0  }
0x55: {  	[tilespmem:s1+$0x44C0] =	vst v0  }
0x56: {  	[tilespmem:s1+$0x44D0] =	vst v0  }
0x57: {  	[tilespmem:s1+$0x44E0] =	vst v0  }
0x58: {  	[tilespmem:s1+$0x44F0] =	vst v0  }
0x59: {  	[tilespmem:s1+$0x3000] =	vst v0  }
0x5a: {  	[tilespmem:s1+$0x3010] =	vst v0  }
0x5b: {  	[tilespmem:s1+$0x3020] =	vst v0  }
0x5c: {  	[tilespmem:s1+$0x3030] =	vst v0  }
0x5d: {  	[tilespmem:s1+$0x3400] =	vst v0  }
0x5e: {  	[tilespmem:s1+$0x3050] =	vst v0  }
0x5f: {  	[tilespmem:s1+$0x3410] =	vst v0  }
0x60: {  	[tilespmem:s1+$0x3070] =	vst v0  }
0x61: {  	[tilespmem:s1+$0x3420] =	vst v0  }
0x62: {  	[tilespmem:s1+$0x3430] =	vst v0  }
0x63: {  	[tilespmem:s1+$0x3440] =	vst v0  }
0x64: {  	[tilespmem:s1+$0x3450] =	vst v0  }
0x65: {  	[tilespmem:s1+$0x3460] =	vst v0  }
0x66: {  	[tilespmem:s1+$0x3470] =	vst v0  }
0x67: {  	[tilespmem:s1+$0x3800] =	vst v0  }
0x68: {  	[tilespmem:s1+$0x3810] =	vst v0  }
0x69: {  	[tilespmem:s1+$0x3820] =	vst v0  }
0x6a: {  	[tilespmem:s1+$0x3830] =	vst v0  }
0x6b: {  	[tilespmem:s1+$0x3840] =	vst v0  }
0x6c: {  	[tilespmem:s1+$0x3850] =	vst v0  }
0x6d: {  	[tilespmem:s1+$0x3860] =	vst v0  }
0x6e: {  	[tilespmem:s1+$0x3870] =	vst v0  }
0x6f: {  	[tilespmem:s1+$0x3C00] =	vst v0  }
0x70: {  	[tilespmem:s1+$0x3C10] =	vst v0  }
0x71: {  	[tilespmem:s1+$0x3C20] =	vst v0  }
0x72: {  	[tilespmem:s1+$0x3C30] =	vst v0  }
0x73: {  	[tilespmem:s1+$0x3C40] =	vst v0  }
0x74: {  	[tilespmem:s1+$0x3C50] =	vst v0  }
0x75: {  	[tilespmem:s1+$0x3C60] =	vst v0  }
0x76: {  	[tilespmem:s1+$0x3C70] =	vst v0  }
0x77: {  	[tilespmem:s1+$0x4000] =	vst v0  }
0x78: {  	[tilespmem:s1+$0x4010] =	vst v0  }
0x79: {  	[tilespmem:s1+$0x4020] =	vst v0  }
0x7a: {  	s24 =	sand.u32 $0x3, s2;
	[tilespmem:s1+$0x4030] =	vst v0  }
0x7b: {  	s11 =	sshll.u32 s24, $0x8;
	[tilespmem:s1+$0x4400] =	vst v0  }
0x7c: {  	s11 =	sadd.s32 $0x0, s11;
	[tilespmem:s1+$0x4410] =	vst v0  }
0x7d: {  	s12 =	sadd.s32 $0x80, s11;
	[tilespmem:s1+$0x4420] =	vst v0  }
0x7e: {  	s13 =	sor.u32 $0x1800, s12;
	[tilespmem:s1+$0x4430] =	vst v0  }
0x7f: {  	s19 =	sor.u32 $0x1800, s11;
	[tilespmem:s13+$0x3000] =	vst v0  }
0x80: {  	s25 =	sor.u32 $0x1810, s12;
	[tilespmem:s19+$0x3000] =	vst v0  }
0x81: {  	[tilespmem:s25+$0x3000] =	vst v0  }
0x82: {  	[tilespmem:s1+$0x3040] =	vst v0  }
0x83: {  	[tilespmem:s1+$0x3060] =	vst v0  }
0x84: {  	[tilespmem:s1+$0x4040] =	vst v0  }
0x85: {  	[tilespmem:s1+$0x4050] =	vst v0  }
0x86: {  	[tilespmem:s1+$0x4060] =	vst v0  }
0x87: {  	[tilespmem:s1+$0x4070] =	vst v0  }
0x88: {  	[tilespmem:s1+$0x4440] =	vst v0  }
0x89: {  	[tilespmem:s1+$0x4450] =	vst v0  }
0x8a: {  	[tilespmem:s1+$0x4460] =	vst v0  }
0x8b: {  	s26 =	sor.u32 $0x1820, s12;
	[tilespmem:s1+$0x4470] =	vst v0  }
0x8c: {  	s20 =	sor.u32 $0x1810, s11;
	[tilespmem:s26+$0x3000] =	vst v0  }
0x8d: {  	s28 =	sor.u32 $0x1830, s12;
	[tilespmem:s20+$0x3000] =	vst v0  }
0x8e: {  	s21 =	sor.u32 $0x1820, s11;
	[tilespmem:s28+$0x3000] =	vst v0  }
0x8f: {  	s29 =	sor.u32 $0x1840, s12;
	[tilespmem:s21+$0x3000] =	vst v0  }
0x90: {  	s22 =	sor.u32 $0x1830, s11;
	[tilespmem:s29+$0x3000] =	vst v0  }
0x91: {  	s30 =	sor.u32 $0x1850, s12;
	[tilespmem:s22+$0x3000] =	vst v0  }
0x92: {  	s23 =	sor.u32 $0x1840, s11;
	[tilespmem:s30+$0x3000] =	vst v0  }
0x93: {  	s31 =	sor.u32 $0x1860, s12;
	[tilespmem:s23+$0x3000] =	vst v0  }
0x94: {  	s24 =	sor.u32 $0x1850, s11;
	[tilespmem:s31+$0x3000] =	vst v0  }
0x95: {  	s0 =	sor.u32 $0x1870, s12;
	[tilespmem:s24+$0x3000] =	vst v0  }
0x96: {  	s25 =	sor.u32 $0x1860, s11;
	[tilespmem:s0+$0x3000] =	vst v0  }
0x97: {  	s3 =	sor.u32 $0x1C00, s12;
	[tilespmem:s25+$0x3000] =	vst v0  }
0x98: {  	s26 =	sor.u32 $0x1870, s11;
	[tilespmem:s3+$0x3000] =	vst v0  }
0x99: {  	s14 =	sor.u32 $0x1C10, s12;
	[tilespmem:s26+$0x3000] =	vst v0  }
0x9a: {  	s28 =	sor.u32 $0x1C00, s11;
	[tilespmem:s14+$0x3000] =	vst v0  }
0x9b: {  	s15 =	sor.u32 $0x1C20, s12;
	[tilespmem:s28+$0x3000] =	vst v0  }
0x9c: {  	s29 =	sor.u32 $0x1C10, s11;
	[tilespmem:s15+$0x3000] =	vst v0  }
0x9d: {  	s16 =	sor.u32 $0x1C30, s12;
	[tilespmem:s29+$0x3000] =	vst v0  }
0x9e: {  	s30 =	sor.u32 $0x1C20, s11;
	[tilespmem:s16+$0x3000] =	vst v0  }
0x9f: {  	s17 =	sor.u32 $0x1C40, s12;
	[tilespmem:s30+$0x3000] =	vst v0  }
0xa0: {  	s31 =	sor.u32 $0x1C30, s11;
	[tilespmem:s17+$0x3000] =	vst v0  }
0xa1: {  	s18 =	sor.u32 $0x1C50, s12;
	[tilespmem:s31+$0x3000] =	vst v0  }
0xa2: {  	s12 =	sor.u32 $0x1C58, s12;
	s14 =	sor.u32 $0x1C40, s11;
	[tilespmem:s18+$0x3000] =	vst v0  }
0xa3: {  	s13 =	simm.s32 $0x100;
	s15 =	simm.s32 $0x0;
	s17 =	sor.u32 $0x1C58, s11;
	[tilespmem:s14+$0x3000] =	vst v0  }
0xa4: {  	s18 =	sor.u32 $0x1C50, s11;
	s14 =	simm.s32 $0x800;
	[tilespmem:s12+$0x3000] =	vst v0;
	s12 =	simm.s32 $0x0  }
.LBB2_2:
0xa5: {  	s1 =	sand.u32 $0x6000, s14;
	s11 =	sand.u32 $0x300, s13;
	[tilespmem:s18+$0x3000] =	vst v0  }
0xa6: {  	s16 =	sor.u32 s11, s1;
	[tilespmem:s17+$0x3000] =	vst v0  }
0xa7: {  	[tilespmem:s16+$0x3080] =	vst v0  }
0xa8: {  	[tilespmem:s16+$0x3090] =	vst v0  }
0xa9: {  	[tilespmem:s16+$0x30A0] =	vst v0  }
0xaa: {  	[tilespmem:s16+$0x30B0] =	vst v0  }
0xab: {  	[tilespmem:s16+$0x30C0] =	vst v0  }
0xac: {  	[tilespmem:s16+$0x30D0] =	vst v0  }
0xad: {  	[tilespmem:s16+$0x30E0] =	vst v0  }
0xae: {  	[tilespmem:s16+$0x30F0] =	vst v0  }
0xaf: {  	[tilespmem:s16+$0x3480] =	vst v0  }
0xb0: {  	[tilespmem:s16+$0x3490] =	vst v0  }
0xb1: {  	[tilespmem:s16+$0x34A0] =	vst v0  }
0xb2: {  	[tilespmem:s16+$0x34B0] =	vst v0  }
0xb3: {  	[tilespmem:s16+$0x34C0] =	vst v0  }
0xb4: {  	[tilespmem:s16+$0x34D0] =	vst v0  }
0xb5: {  	[tilespmem:s16+$0x34E0] =	vst v0  }
0xb6: {  	[tilespmem:s16+$0x34F0] =	vst v0  }
0xb7: {  	[tilespmem:s16+$0x3880] =	vst v0  }
0xb8: {  	[tilespmem:s16+$0x3890] =	vst v0  }
0xb9: {  	[tilespmem:s16+$0x38A0] =	vst v0  }
0xba: {  	[tilespmem:s16+$0x38B0] =	vst v0  }
0xbb: {  	[tilespmem:s16+$0x38C0] =	vst v0  }
0xbc: {  	[tilespmem:s16+$0x38D0] =	vst v0  }
0xbd: {  	[tilespmem:s16+$0x38E0] =	vst v0  }
0xbe: {  	[tilespmem:s16+$0x38F0] =	vst v0  }
0xbf: {  	[tilespmem:s16+$0x3C80] =	vst v0  }
0xc0: {  	[tilespmem:s16+$0x3C90] =	vst v0  }
0xc1: {  	[tilespmem:s16+$0x3CA0] =	vst v0  }
0xc2: {  	[tilespmem:s16+$0x3CB0] =	vst v0  }
0xc3: {  	[tilespmem:s16+$0x3CC0] =	vst v0  }
0xc4: {  	[tilespmem:s16+$0x3CD0] =	vst v0  }
0xc5: {  	[tilespmem:s16+$0x3CE0] =	vst v0  }
0xc6: {  	[tilespmem:s16+$0x3CF0] =	vst v0  }
0xc7: {  	[tilespmem:s16+$0x4080] =	vst v0  }
0xc8: {  	[tilespmem:s16+$0x4090] =	vst v0  }
0xc9: {  	[tilespmem:s16+$0x40A0] =	vst v0  }
0xca: {  	[tilespmem:s16+$0x40B0] =	vst v0  }
0xcb: {  	[tilespmem:s16+$0x40C0] =	vst v0  }
0xcc: {  	[tilespmem:s16+$0x40D0] =	vst v0  }
0xcd: {  	[tilespmem:s16+$0x40E0] =	vst v0  }
0xce: {  	[tilespmem:s16+$0x40F0] =	vst v0  }
0xcf: {  	[tilespmem:s16+$0x4480] =	vst v0  }
0xd0: {  	[tilespmem:s16+$0x4490] =	vst v0  }
0xd1: {  	s15 =	sadd.s32 $0x1, s15;
	[tilespmem:s16+$0x44A0] =	vst v0  }
0xd2: {  	s1 =	sand.u32 $0x3, s15;
	[tilespmem:s16+$0x44B0] =	vst v0  }
0xd3: {  	s1 =	sshll.u32 s1, $0x8;
	[tilespmem:s16+$0x44C0] =	vst v0  }
0xd4: {  	s11 =	sadd.s32 s1, s14;
	[tilespmem:s16+$0x44D0] =	vst v0  }
0xd5: {  	s1 =	sor.u32 $0x1800, s11;
	s19 =	sor.u32 $0x1810, s11;
	s0 =	sadd.s32 $0x80, s11;
	[tilespmem:s16+$0x44E0] =	vst v0  }
0xd6: {  	s21 =	sor.u32 $0x1820, s11;
	s20 =	sor.u32 $0x1830, s11;
	s17 =	sor.u32 $0x1800, s0;
	[tilespmem:s16+$0x44F0] =	vst v0  }
0xd7: {  	s23 =	sor.u32 $0x1840, s11;
	s22 =	sor.u32 $0x1850, s11;
	[tilespmem:s17+$0x3000] =	vst v0;
	s17 =	sor.u32 $0x1810, s0  }
0xd8: {  	s25 =	sor.u32 $0x1860, s11;
	s24 =	sor.u32 $0x1870, s11;
	[tilespmem:s17+$0x3000] =	vst v0;
	s17 =	sor.u32 $0x1820, s0  }
0xd9: {  	s28 =	sor.u32 $0x1C00, s11;
	s26 =	sor.u32 $0x1C10, s11;
	[tilespmem:s17+$0x3000] =	vst v0;
	s17 =	sor.u32 $0x1830, s0  }
0xda: {  	s30 =	sor.u32 $0x1C20, s11;
	s29 =	sor.u32 $0x1C30, s11;
	[tilespmem:s17+$0x3000] =	vst v0;
	s17 =	sor.u32 $0x1840, s0  }
0xdb: {  	s31 =	sor.u32 $0x1C40, s11;
	s18 =	sor.u32 $0x1C50, s11;
	s3 =	sor.u32 $0x1850, s0;
	[tilespmem:s17+$0x3000] =	vst v0  }
0xdc: {  	s17 =	sor.u32 $0x1C58, s11;
	[tilespmem:s3+$0x3000] =	vst v0;
	s3 =	sor.u32 $0x1860, s0  }
0xdd: {  	[tilespmem:s3+$0x3000] =	vst v0;
	s3 =	sor.u32 $0x1870, s0  }
0xde: {  	[tilespmem:s3+$0x3000] =	vst v0;
	s3 =	sor.u32 $0x1C00, s0  }
0xdf: {  	[tilespmem:s3+$0x3000] =	vst v0;
	s3 =	sor.u32 $0x1C10, s0  }
0xe0: {  	s12 =	sadd.s32 $0x2, s12;
	[tilespmem:s3+$0x3000] =	vst v0;
	s3 =	sor.u32 $0x1C20, s0  }
0xe1: {  	p0 =	slt.u32 s12, $0x1E;
	[tilespmem:s3+$0x3000] =	vst v0;
	s3 =	sor.u32 $0x1C30, s0  }
0xe2: {  	[tilespmem:s3+$0x3000] =	vst v0;
	s3 =	sor.u32 $0x1C40, s0  }
0xe3: {  	[tilespmem:s3+$0x3000] =	vst v0;
	s3 =	sor.u32 $0x1C50, s0  }
0xe4: {  	s0 =	sor.u32 $0x1C58, s0;
	[tilespmem:s3+$0x3000] =	vst v0  }
0xe5: {  	s11 =	simm.s32 $0x0;
	[tilespmem:s0+$0x3000] =	vst v0  }
0xe6: {  	[tilespmem:s16+$0x3000] =	vst v0  }
0xe7: {  	[tilespmem:s16+$0x3010] =	vst v0  }
0xe8: {  	[tilespmem:s16+$0x3020] =	vst v0  }
0xe9: {  	[tilespmem:s16+$0x3030] =	vst v0  }
0xea: {  	[tilespmem:s16+$0x3400] =	vst v0  }
0xeb: {  	[tilespmem:s16+$0x3050] =	vst v0  }
0xec: {  	[tilespmem:s16+$0x3410] =	vst v0  }
0xed: {  	[tilespmem:s16+$0x3070] =	vst v0  }
0xee: {  	[tilespmem:s16+$0x3420] =	vst v0  }
0xef: {  	[tilespmem:s16+$0x3430] =	vst v0  }
0xf0: {  	[tilespmem:s16+$0x3440] =	vst v0  }
0xf1: {  	[tilespmem:s16+$0x3450] =	vst v0  }
0xf2: {  	[tilespmem:s16+$0x3460] =	vst v0  }
0xf3: {  	[tilespmem:s16+$0x3470] =	vst v0  }
0xf4: {  	[tilespmem:s16+$0x3800] =	vst v0  }
0xf5: {  	[tilespmem:s16+$0x3810] =	vst v0  }
0xf6: {  	[tilespmem:s16+$0x3820] =	vst v0  }
0xf7: {  	[tilespmem:s16+$0x3830] =	vst v0  }
0xf8: {  	[tilespmem:s16+$0x3840] =	vst v0  }
0xf9: {  	[tilespmem:s16+$0x3850] =	vst v0  }
0xfa: {  	[tilespmem:s16+$0x3860] =	vst v0  }
0xfb: {  	[tilespmem:s16+$0x3870] =	vst v0  }
0xfc: {  	[tilespmem:s16+$0x3C00] =	vst v0  }
0xfd: {  	[tilespmem:s16+$0x3C10] =	vst v0  }
0xfe: {  	[tilespmem:s16+$0x3C20] =	vst v0  }
0xff: {  	[tilespmem:s16+$0x3C30] =	vst v0  }
0x100: {  	[tilespmem:s16+$0x3C40] =	vst v0  }
0x101: {  	[tilespmem:s16+$0x3C50] =	vst v0  }
0x102: {  	[tilespmem:s16+$0x3C60] =	vst v0  }
0x103: {  	[tilespmem:s16+$0x3C70] =	vst v0  }
0x104: {  	[tilespmem:s16+$0x4000] =	vst v0  }
0x105: {  	[tilespmem:s16+$0x4010] =	vst v0  }
0x106: {  	[tilespmem:s16+$0x4020] =	vst v0  }
0x107: {  	[tilespmem:s16+$0x4030] =	vst v0  }
0x108: {  	[tilespmem:s16+$0x4400] =	vst v0  }
0x109: {  	[tilespmem:s16+$0x4410] =	vst v0  }
0x10a: {  	[tilespmem:s16+$0x4420] =	vst v0  }
0x10b: {  	[tilespmem:s16+$0x4430] =	vst v0  }
0x10c: {  	[tilespmem:s1+$0x3000] =	vst v0  }
0x10d: {  	[tilespmem:s16+$0x3040] =	vst v0  }
0x10e: {  	[tilespmem:s16+$0x3060] =	vst v0  }
0x10f: {  	[tilespmem:s16+$0x4040] =	vst v0  }
0x110: {  	[tilespmem:s16+$0x4050] =	vst v0  }
0x111: {  	[tilespmem:s16+$0x4060] =	vst v0  }
0x112: {  	[tilespmem:s16+$0x4070] =	vst v0  }
0x113: {  	[tilespmem:s16+$0x4440] =	vst v0  }
0x114: {  	[tilespmem:s16+$0x4450] =	vst v0  }
0x115: {  	[tilespmem:s16+$0x4460] =	vst v0  }
0x116: {  	[tilespmem:s16+$0x4470] =	vst v0  }
0x117: {  	[tilespmem:s19+$0x3000] =	vst v0  }
0x118: {  	[tilespmem:s21+$0x3000] =	vst v0  }
0x119: {  	[tilespmem:s20+$0x3000] =	vst v0  }
0x11a: {  	[tilespmem:s23+$0x3000] =	vst v0  }
0x11b: {  	[tilespmem:s22+$0x3000] =	vst v0  }
0x11c: {  	[tilespmem:s25+$0x3000] =	vst v0  }
0x11d: {  	[tilespmem:s24+$0x3000] =	vst v0  }
.Ltmp0:
0x11e: {  	[tilespmem:s28+$0x3000] =	vst v0;
	(pc) =	sbr.rel @p0 .LBB2_2-.Ltmp0, $4  }
0x11f: {  	[tilespmem:s26+$0x3000] =	vst v0  }
0x120: {  	[tilespmem:s30+$0x3000] =	vst v0  }
0x121: {  	[tilespmem:s29+$0x3000] =	vst v0  }
0x122: {  	s13 =	sadd.s32 $0x100, s13;
	s14 =	sadd.s32 $0x800, s14;
	[tilespmem:s31+$0x3000] =	vst v0  }
0x123: {  	s0 =	simm.s32 $0x1;
	s1 =	simm.s32 $0x2  }
0x124: {  	s3 =	simm.s32 $0x3;
	s19 =	simm.s32 $0x4;
	s20 =	simm.s32 $0x5;
	v8 =	vmov s0;
	v10 =	vmov s1  }
0x125: {  	s21 =	simm.s32 $0x7;
	s22 =	simm.s32 $0x8;
	s23 =	simm.s32 $0xA;
	v9 =	vmov s3;
	v11 =	vmov s19;
	v12 =	vmov s20  }
0x126: {  	s24 =	simm.s32 $0xB;
	s25 =	simm.s32 $0x9;
	s28 =	simm.s32 $0xD;
	v13 =	vmov s21;
	v14 =	vmov s22;
	v7 =	vmov s23  }
0x127: {  	s29 =	simm.s32 $0x6;
	s30 =	simm.s32 $0xE;
	s31 =	simm.s32 $0xF;
	v15 =	vmov s24;
	v24 =	vmov s25;
	v26 =	vmov s28  }
0x128: {  	v31 =	vmov s29;
	v49 =	vmov s30;
	v51 =	vmov s31  }
0x129: {  	v16 =	vshll.u32 v9, $0x3;
	v17 =	vand.u32 $0x75, v12;
	v18 =	vshll.u32 v15, $0x3  }
0x12a: {  	v19 =	vshll.u32 v11, $0x3;
	v20 =	vshll.u32 v7, $0x3;
	v15 =	vand.u32 $0x7B, v15  }
0x12b: {  	v7 =	vand.u32 $0x7A, v7;
	v61 =	vshll.u32 v8, $0x3;
	v11 =	vand.u32 $0x74, v11  }
0x12c: {  	v21 =	vshll.u32 v13, $0x3;
	v22 =	vand.u32 $0x71, v8;
	v8 =	vshll.u32 v14, $0x3  }
0x12d: {  	v12 =	vshll.u32 v12, $0x3;
	v14 =	vand.u32 $0x78, v14;
	v13 =	vand.u32 $0x77, v13  }
0x12e: {  	v28 =	vshll.u32 v26, $0x3;
	v26 =	vand.u32 $0x7D, v26;
	v29 =	vshll.u32 v24, $0x3  }
0x12f: {  	v48 =	vshll.u32 v31, $0x3;
	v24 =	vand.u32 $0x79, v24;
	v50 =	vand.u32 $0x7E, v49  }
0x130: {  	v52 =	vshll.u32 v51, $0x3;
	v35 =	vand.u32 $0x72, v10;
	v10 =	vshll.u32 v10, $0x3  }
0x131: {  	v31 =	vand.u32 $0x76, v31;
	v18 =	vand.u32 $0x400, v18;
	v20 =	vand.u32 $0x400, v20  }
0x132: {  	v59 =	vand.u32 $0x400, v19;
	v8 =	vand.u32 $0x400, v8;
	v21 =	vand.u32 $0x400, v21  }
0x133: {  	v28 =	vand.u32 $0x400, v28;
	v29 =	vand.u32 $0x400, v29;
	v53 =	vand.u32 $0x400, v52  }
0x134: {  	v10 =	vand.u32 $0x400, v10;
	v15 =	vor.u32 v15, v18;
	v7 =	vor.u32 v7, v20  }
0x135: {  	v14 =	vor.u32 v14, v8;
	v8 =	vand.u32 $0x400, v12;
	v12 =	vor.u32 v13, v21  }
0x136: {  	v62 =	vor.u32 v11, v59;
	v63 =	vor.u32 v26, v28;
	v24 =	vor.u32 v24, v29  }
0x137: {  	v10 =	vor.u32 v35, v10;
	v60 =	vor.u32 v1, v15;
	v23 =	vor.u32 v1, v7  }
0x138: {  	s26 =	simm.s32 $0xC;
	v13 =	vor.u32 v1, v14;
	v17 =	vor.u32 v17, v8;
	v21 =	vor.u32 v1, v12  }
0x139: {  	v8 =	vmov s26;
	v11 =	vor.u32 v1, v62;
	v12 =	vor.u32 v4, v12  }
0x13a: {  	[tilespmem:s18+$0x3000] =	vst v0;
	v14 =	vor.u32 v4, v14;
	v15 =	vor.u32 v4, v15;
	v33 =	vor.u32 v1, v63  }
0x13b: {  	[tilespmem:s17+$0x3000] =	vst v0;
	v29 =	vor.u32 v1, v24;
	v56 =	vor.u32 v1, v10;
	v18 =	vor.u32 v4, v63  }
0x13c: {  	v24 =	vor.u32 v4, v24;
	v27 =	vand.u32 $0x7C, v8;
	v8 =	vshll.u32 v8, $0x3;
	v19 =	vld.idx.msk [tilespmem:v60+s2+$0x0], $0xffff  }
0x13d: {  	v10 =	vor.u32 v4, v10;
	v7 =	vor.u32 v4, v7;
	v8 =	vand.u32 $0x400, v8;
	v23 =	vld.idx.msk [tilespmem:v23+s2+$0x0], $0xffff  }
0x13e: {  	v25 =	vor.u32 v1, v17;
	v17 =	vor.u32 v4, v17;
	v27 =	vor.u32 v27, v8;
	v13 =	vld.idx.msk [tilespmem:v13+s2+$0x0], $0xffff  }
0x13f: {  	v8 =	vand.u32 $0x73, v9;
	v9 =	vand.u32 $0x400, v16;
	v16 =	vor.u32 v4, v62;
	v21 =	vld.idx.msk [tilespmem:v21+s2+$0x0], $0xffff  }
0x140: {  	v8 =	vor.u32 v8, v9;
	v9 =	vand.u32 $0x400, v61;
	v42 =	vor.u32 v1, v27;
	v32 =	vld.idx.msk [tilespmem:v11+s2+$0x0], $0xffff  }
0x141: {  	v27 =	vor.u32 v4, v27;
	v20 =	vor.u32 v22, v9;
	v40 =	vor.u32 v1, v8;
	v29 =	vld.idx.msk [tilespmem:v29+s2+$0x0], $0xffff  }
0x142: {  	v33 =	vld.idx.msk [tilespmem:v33+s2+$0x0], $0xffff;
	v8 =	vor.u32 v4, v8;
	v41 =	vor.u32 v1, v20;
	v20 =	vor.u32 v4, v20  }
0x143: {  	v39 =	vshll.u32 v19, $0x3;
	v19 =	vand.u32 $0x7F, v19;
	v9 =	vshll.u32 v23, $0x3  }
0x144: {  	v23 =	vand.u32 $0x7F, v23;
	v30 =	vshll.u32 v13, $0x3;
	v11 =	vand.u32 $0x7F, v21  }
0x145: {  	v25 =	vld.idx.msk [tilespmem:v25+s2+$0x0], $0xffff;
	v21 =	vshll.u32 v21, $0x3;
	v13 =	vand.u32 $0x7F, v13;
	v47 =	vand.u32 $0x7F, v32  }
0x146: {  	v32 =	vshll.u32 v32, $0x3;
	v59 =	vand.u32 $0x7F, v29;
	v29 =	vshll.u32 v29, $0x3  }
0x147: {  	v37 =	vand.u32 $0x7F, v33;
	v33 =	vshll.u32 v33, $0x3;
	v30 =	vand.u32 $0xFFFFFC00, v30  }
0x148: {  	v9 =	vand.u32 $0xFFFFFC00, v9;
	v26 =	vand.u32 $0xFFFFFC00, v39;
	v13 =	vor.u32 v13, v30  }
0x149: {  	v61 =	vld.idx.msk [tilespmem:v56+s2+$0x0], $0xffff;
	v21 =	vand.u32 $0xFFFFFC00, v21;
	v19 =	vor.u32 v19, v26;
	v13 =	vadd.s32 v2, v13  }
0x14a: {  	v22 =	vld.idx.msk [tilespmem:v40+s2+$0x0], $0xffff;
	v44 =	vshll.u32 v25, $0x3;
	v11 =	vor.u32 v11, v21;
	v19 =	vadd.s32 v2, v19  }
0x14b: {  	v43 =	vld.idx.msk [tilespmem:v41+s2+$0x0], $0xffff;
	v60 =	vand.u32 $0xFFFFFC00, v29;
	v9 =	vor.u32 v23, v9;
	v45 =	vadd.s32 v2, v11  }
0x14c: {  	v33 =	vand.u32 $0xFFFFFC00, v33;
	v46 =	vand.u32 $0xFFFFFC00, v44;
	v23 =	vld.idx.msk [tilespmem:v42+s2+$0x0], $0xffff;
	v9 =	vadd.s32 v2, v9  }
0x14d: {  	v30 =	vand.u32 $0x400, v48;
	v41 =	vor.u32 v37, v33;
	v11 =	vand.u32 $0x7F, v25  }
0x14e: {  	v29 =	vand.u32 $0x7F, v61;
	v30 =	vor.u32 v31, v30;
	v11 =	vor.u32 v11, v46;
	[tilespmem:v13+s9+$0x0] =	vst.idx.add.f32.msk $0xffff, v3  }
0x14f: {  	v31 =	vor.u32 v4, v30;
	v25 =	vadd.s32 v2, v11;
	v11 =	vand.u32 $0x7F, v22;
	[tilespmem:v19+s9+$0x0] =	vst.idx.add.f32.msk $0xffff, v3  }
0x150: {  	v22 =	vshll.u32 v22, $0x3;
	v34 =	vshll.u32 v43, $0x3;
	v21 =	vand.u32 $0x7F, v43;
	[tilespmem:v45+s9+$0x0] =	vst.idx.add.f32.msk $0xffff, v3  }
0x151: {  	v22 =	vand.u32 $0xFFFFFC00, v22;
	v34 =	vand.u32 $0xFFFFFC00, v34;
	v54 =	vshll.u32 v23, $0x3;
	[tilespmem:v9+s9+$0x0] =	vst.idx.add.f32.msk $0xffff, v3  }
0x152: {  	v23 =	vand.u32 $0x7F, v23;
	v11 =	vor.u32 v11, v22;
	v21 =	vor.u32 v21, v34;
	v14 =	vld.idx.msk [tilespmem:v14+s2+$0x0], $0xffff  }
0x153: {  	v55 =	vand.u32 $0xFFFFFC00, v54;
	v19 =	vor.u32 v59, v60;
	v15 =	vld.idx.msk [tilespmem:v15+s2+$0x0], $0xffff;
	v21 =	vadd.s32 v2, v21  }
0x154: {  	v43 =	vshll.u32 v61, $0x3;
	v23 =	vor.u32 v23, v55;
	v19 =	vadd.s32 v2, v19;
	[tilespmem:v25+s9+$0x0] =	vst.idx.add.f32.msk $0xffff, v3  }
0x155: {  	v13 =	vand.u32 $0xFFFFFC00, v32;
	v32 =	vshll.u32 v49, $0x3;
	v23 =	vadd.s32 v2, v23;
	v17 =	vld.idx.msk [tilespmem:v17+s2+$0x0], $0xffff  }
0x156: {  	v45 =	vand.u32 $0xFFFFFC00, v43;
	v13 =	vor.u32 v47, v13;
	v12 =	vld.idx.msk [tilespmem:v12+s2+$0x0], $0xffff;
	v25 =	vand.u32 $0x7F, v51  }
0x157: {  	v11 =	vadd.s32 v2, v11;
	v7 =	vld.idx.msk [tilespmem:v7+s2+$0x0], $0xffff;
	v13 =	vadd.s32 v2, v13;
	v25 =	vor.u32 v25, v53  }
0x158: {  	v32 =	vand.u32 $0x400, v32;
	v36 =	vor.u32 v1, v25;
	v57 =	vshll.u32 v14, $0x3;
	[tilespmem:v21+s9+$0x0] =	vst.idx.add.f32.msk $0xffff, v3  }
0x159: {  	v26 =	vor.u32 v50, v32;
	v14 =	vand.u32 $0x7F, v14;
	[tilespmem:v19+s9+$0x0] =	vst.idx.add.f32.msk $0xffff, v3;
	v63 =	vand.u32 $0xFFFFFC00, v57  }
0x15a: {  	v51 =	vor.u32 v1, v30;
	[tilespmem:v23+s9+$0x0] =	vst.idx.add.f32.msk $0xffff, v3;
	v38 =	vshll.u32 v17, $0x3;
	v14 =	vor.u32 v14, v63  }
0x15b: {  	v20 =	vld.idx.msk [tilespmem:v20+s2+$0x0], $0xffff;
	v17 =	vand.u32 $0x7F, v17;
	v38 =	vand.u32 $0xFFFFFC00, v38;
	v14 =	vadd.s32 v5, v14  }
0x15c: {  	v58 =	vor.u32 v1, v26;
	[tilespmem:v13+s9+$0x0] =	vst.idx.add.f32.msk $0xffff, v3;
	v17 =	vor.u32 v17, v38;
	v38 =	vmov s11  }
0x15d: {  	v53 =	vor.u32 v4, v26;
	v25 =	vor.u32 v4, v25;
	v62 =	vld.idx.msk [tilespmem:v36+s2+$0x0], $0xffff;
	v23 =	vshll.u32 v38, $0x3  }
0x15e: {  	v19 =	vor.u32 v29, v45;
	v24 =	vld.idx.msk [tilespmem:v24+s2+$0x0], $0xffff;
	v39 =	vand.u32 $0x70, v38;
	v23 =	vand.u32 $0x400, v23  }
0x15f: {  	v49 =	vshll.u32 v12, $0x3;
	v19 =	vadd.s32 v2, v19;
	v27 =	vld.idx.msk [tilespmem:v27+s2+$0x0], $0xffff;
	v13 =	vor.u32 v39, v23  }
0x160: {  	v36 =	vand.u32 $0x7F, v15;
	v15 =	vshll.u32 v15, $0x3;
	[tilespmem:v14+s9+$0x0] =	vst.idx.add.f32.msk $0xffff, v3;
	v14 =	vor.u32 v1, v13  }
0x161: {  	v21 =	vadd.s32 v2, v41;
	v12 =	vand.u32 $0x7F, v12;
	v16 =	vld.idx.msk [tilespmem:v16+s2+$0x0], $0xffff;
	v15 =	vand.u32 $0xFFFFFC00, v15  }
0x162: {  	v47 =	vld.idx.msk [tilespmem:v58+s2+$0x0], $0xffff;
	v17 =	vadd.s32 v5, v17;
	v15 =	vor.u32 v36, v15;
	v28 =	vshll.u32 v62, $0x3  }
0x163: {  	[tilespmem:v11+s9+$0x0] =	vst.idx.add.f32.msk $0xffff, v3;
	v15 =	vadd.s32 v5, v15;
	v40 =	vand.u32 $0x7F, v62;
	v42 =	vand.u32 $0xFFFFFC00, v28  }
0x164: {  	v46 =	vand.u32 $0x7F, v20;
	v50 =	vshll.u32 v24, $0x3;
	[tilespmem:v19+s9+$0x0] =	vst.idx.add.f32.msk $0xffff, v3;
	v23 =	vor.u32 v40, v42  }
0x165: {  	v24 =	vand.u32 $0x7F, v24;
	v20 =	vshll.u32 v20, $0x3;
	v23 =	vadd.s32 v2, v23;
	v14 =	vld.idx.msk [tilespmem:v14+s2+$0x0], $0xffff  }
0x166: {  	v44 =	vand.u32 $0x7F, v27;
	v27 =	vshll.u32 v27, $0x3;
	v48 =	vand.u32 $0x7F, v16;
	v10 =	vld.idx.msk [tilespmem:v10+s2+$0x0], $0xffff  }
0x167: {  	v20 =	vand.u32 $0xFFFFFC00, v20;
	v52 =	vand.u32 $0x7F, v47;
	[tilespmem:v17+s9+$0x0] =	vst.idx.add.f32.msk $0xffff, v3;
	v17 =	vand.u32 $0xFFFFFC00, v49  }
0x168: {  	v27 =	vand.u32 $0xFFFFFC00, v27;
	[tilespmem:v15+s9+$0x0] =	vst.idx.add.f32.msk $0xffff, v3;
	v15 =	vshll.u32 v47, $0x3;
	v12 =	vor.u32 v12, v17  }
0x169: {  	[tilespmem:v21+s9+$0x0] =	vst.idx.add.f32.msk $0xffff, v3;
	v20 =	vor.u32 v46, v20;
	v15 =	vand.u32 $0xFFFFFC00, v15;
	v12 =	vadd.s32 v5, v12  }
0x16a: {  	v13 =	vor.u32 v4, v13;
	v15 =	vor.u32 v52, v15;
	[tilespmem:v23+s9+$0x0] =	vst.idx.add.f32.msk $0xffff, v3;
	v55 =	vshll.u32 v14, $0x3  }
0x16b: {  	v15 =	vadd.s32 v2, v15;
	v23 =	vld.idx.msk [tilespmem:v51+s2+$0x0], $0xffff;
	v14 =	vand.u32 $0x7F, v14;
	v56 =	vand.u32 $0xFFFFFC00, v55  }
0x16c: {  	v18 =	vld.idx.msk [tilespmem:v18+s2+$0x0], $0xffff;
	v27 =	vor.u32 v44, v27;
	v20 =	vadd.s32 v5, v20;
	v11 =	vor.u32 v14, v56  }
0x16d: {  	v27 =	vadd.s32 v5, v27;
	v25 =	vld.idx.msk [tilespmem:v25+s2+$0x0], $0xffff;
	v14 =	vshll.u32 v10, $0x3;
	v11 =	vadd.s32 v2, v11  }
0x16e: {  	[tilespmem:v12+s9+$0x0] =	vst.idx.add.f32.msk $0xffff, v3;
	v12 =	vshll.u32 v7, $0x3;
	v10 =	vand.u32 $0x7F, v10;
	v14 =	vand.u32 $0xFFFFFC00, v14  }
0x16f: {  	v8 =	vld.idx.msk [tilespmem:v8+s2+$0x0], $0xffff;
	v7 =	vand.u32 $0x7F, v7;
	v10 =	vor.u32 v10, v14;
	v14 =	vshll.u32 v16, $0x3  }
0x170: {  	[tilespmem:v15+s9+$0x0] =	vst.idx.add.f32.msk $0xffff, v3;
	v58 =	vshll.u32 v23, $0x3;
	v60 =	vand.u32 $0x7F, v23;
	v9 =	vand.u32 $0xFFFFFC00, v14  }
0x171: {  	v61 =	vld.idx.msk [tilespmem:v53+s2+$0x0], $0xffff;
	v10 =	vadd.s32 v5, v10;
	v14 =	vand.u32 $0xFFFFFC00, v58;
	v9 =	vor.u32 v48, v9  }
0x172: {  	v15 =	vshll.u32 v18, $0x3;
	v62 =	vadd.s32 v5, v9;
	[tilespmem:v11+s9+$0x0] =	vst.idx.add.f32.msk $0xffff, v3;
	v11 =	vor.u32 v60, v14  }
0x173: {  	[tilespmem:v20+s9+$0x0] =	vst.idx.add.f32.msk $0xffff, v3;
	v15 =	vand.u32 $0xFFFFFC00, v15;
	v54 =	vshll.u32 v25, $0x3;
	v11 =	vadd.s32 v2, v11  }
0x174: {  	[tilespmem:v27+s9+$0x0] =	vst.idx.add.f32.msk $0xffff, v3;
	v57 =	vand.u32 $0x7F, v25;
	v21 =	vand.u32 $0xFFFFFC00, v54;
	v14 =	vand.u32 $0x7F, v18  }
0x175: {  	v59 =	vor.u32 v57, v21;
	v9 =	vor.u32 v14, v15;
	v13 =	vld.idx.msk [tilespmem:v13+s2+$0x0], $0xffff;
	v14 =	vshll.u32 v8, $0x3  }
0x176: {  	v15 =	vand.u32 $0xFFFFFC00, v50;
	v8 =	vand.u32 $0x7F, v8;
	[tilespmem:v10+s9+$0x0] =	vst.idx.add.f32.msk $0xffff, v3;
	v10 =	vadd.s32 v5, v59  }
0x177: {  	v63 =	vadd.s32 v5, v9;
	v9 =	vand.u32 $0xFFFFFC00, v14;
	v14 =	vshll.u32 v61, $0x3;
	[tilespmem:v62+s9+$0x0] =	vst.idx.add.f32.msk $0xffff, v3  }
0x178: {  	v8 =	vor.u32 v8, v9;
	v9 =	vand.u32 $0xFFFFFC00, v12;
	v12 =	vor.u32 v24, v15;
	[tilespmem:v11+s9+$0x0] =	vst.idx.add.f32.msk $0xffff, v3  }
0x179: {  	v11 =	vor.u32 v7, v9;
	v9 =	vadd.s32 v5, v12;
	v7 =	vadd.s32 v5, v8  }
0x17a: {  	v12 =	vand.u32 $0x7F, v61;
	v15 =	vshll.u32 v13, $0x3;
	v8 =	vld.idx.msk [tilespmem:v31+s2+$0x0], $0xffff;
	v11 =	vadd.s32 v5, v11  }
0x17b: {  	v13 =	vand.u32 $0x7F, v13;
	[tilespmem:v10+s9+$0x0] =	vst.idx.add.f32.msk $0xffff, v3;
	v10 =	vand.u32 $0xFFFFFC00, v14;
	v14 =	vand.u32 $0xFFFFFC00, v15  }
0x17c: {  	s14 =	simm.s32 $0x10;
	s11 =	simm.s32 $0xC0;
	[tilespmem:v63+s9+$0x0] =	vst.idx.add.f32.msk $0xffff, v3;
	v10 =	vor.u32 v12, v10;
	v12 =	vor.u32 v13, v14  }
.LBB2_4:
0x17d: {  	s0 =	sadd.s32 $0x1, s14  }
0x17e: {  	s1 =	sadd.s32 $0x2, s14;
	s3 =	sadd.s32 $0x3, s14;
	v12 =	vadd.s32 v5, v12;
	[tilespmem:v9+s9+$0x0] =	vst.idx.add.f32.msk $0xffff, v3;
	v9 =	vadd.s32 v5, v10;
	s13 =	smov.u32 s14  }
0x17f: {  	v13 =	vmov s0;
	v10 =	vmov s1;
	v15 =	vmov s3;
	s0 =	sadd.s32 $0x4, s14;
	s3 =	sadd.s32 $0x5, s14;
	s1 =	sadd.s32 $0x6, s14;
	[tilespmem:v11+s9+$0x0] =	vst.idx.add.f32.msk $0xffff, v3  }
0x180: {  	s12 =	sadd.s32 $0x10, s14;
	v11 =	vmov s0;
	v14 =	vmov s3;
	s0 =	sadd.s32 $0x7, s13;
	s3 =	sadd.s32 $0x8, s13;
	[tilespmem:v7+s9+$0x0] =	vst.idx.add.f32.msk $0xffff, v3;
	v7 =	vand.u32 $0x7F, v8  }
0x181: {  	p0 =	slt.u32 s14, $0xB0;
	v8 =	vshll.u32 v8, $0x3;
	v16 =	vmov s0;
	v17 =	vmov s3;
	s0 =	sadd.s32 $0xA, s13;
	s3 =	sadd.s32 $0xB, s13  }
0x182: {  	v8 =	vand.u32 $0xFFFFFC00, v8;
	v18 =	vmov s0;
	v19 =	vmov s3  }
0x183: {  	v20 =	vshll.u32 v15, $0x3;
	v21 =	vand.u32 $0x75, v14;
	v22 =	vshll.u32 v19, $0x3;
	[tilespmem:v12+s9+$0x0] =	vst.idx.add.f32.msk $0xffff, v3  }
0x184: {  	v12 =	vshll.u32 v11, $0x3;
	v23 =	vshll.u32 v18, $0x3;
	v22 =	vand.u32 $0x400, v22;
	[tilespmem:v9+s9+$0x0] =	vst.idx.add.f32.msk $0xffff, v3  }
0x185: {  	v7 =	vor.u32 v7, v8;
	v19 =	vand.u32 $0x7B, v19;
	v9 =	vand.u32 $0x400, v23  }
0x186: {  	v8 =	vand.u32 $0x7A, v18;
	v18 =	vor.u32 v19, v22;
	v19 =	vadd.s32 v5, v7  }
0x187: {  	v12 =	vand.u32 $0x400, v12;
	v7 =	vor.u32 v8, v9;
	v8 =	vor.u32 v1, v18  }
0x188: {  	v11 =	vand.u32 $0x74, v11;
	v9 =	vshll.u32 v13, $0x3;
	v22 =	vshll.u32 v16, $0x3  }
0x189: {  	v23 =	vshll.u32 v17, $0x3;
	v13 =	vand.u32 $0x71, v13;
	v24 =	vor.u32 v1, v7  }
0x18a: {  	v14 =	vshll.u32 v14, $0x3;
	v17 =	vand.u32 $0x78, v17;
	v23 =	vand.u32 $0x400, v23  }
0x18b: {  	v16 =	vand.u32 $0x77, v16;
	v22 =	vand.u32 $0x400, v22;
	v17 =	vor.u32 v17, v23;
	[tilespmem:v19+s9+$0x0] =	vst.idx.add.f32.msk $0xffff, v3  }
0x18c: {  	v14 =	vand.u32 $0x400, v14;
	s0 =	sadd.s32 $0x9, s13;
	v19 =	vor.u32 v16, v22;
	v16 =	vor.u32 v1, v17  }
0x18d: {  	s3 =	sadd.s32 $0xD, s13;
	v21 =	vor.u32 v21, v14;
	v23 =	vmov s0;
	s0 =	sadd.s32 $0xC, s13;
	v22 =	vor.u32 v1, v19;
	v25 =	vld.idx.msk [tilespmem:v8+s2+$0x0], $0xffff  }
0x18e: {  	v14 =	vmov s3;
	v26 =	vor.u32 v1, v21;
	v8 =	vmov s0  }
0x18f: {  	v28 =	vshll.u32 v14, $0x3;
	v27 =	vand.u32 $0x7C, v8;
	v8 =	vshll.u32 v8, $0x3;
	v24 =	vld.idx.msk [tilespmem:v24+s2+$0x0], $0xffff  }
0x190: {  	v14 =	vand.u32 $0x7D, v14;
	v28 =	vand.u32 $0x400, v28;
	v8 =	vand.u32 $0x400, v8  }
0x191: {  	v14 =	vor.u32 v14, v28;
	v30 =	vshll.u32 v23, $0x3;
	v27 =	vor.u32 v27, v8;
	v29 =	vld.idx.msk [tilespmem:v16+s2+$0x0], $0xffff  }
0x192: {  	v8 =	vand.u32 $0x73, v15;
	v15 =	vand.u32 $0x400, v20;
	v20 =	vor.u32 v11, v12  }
0x193: {  	v8 =	vor.u32 v8, v15;
	v11 =	vor.u32 v1, v20;
	v12 =	vld.idx.msk [tilespmem:v22+s2+$0x0], $0xffff;
	v22 =	vshll.u32 v25, $0x3  }
0x194: {  	v9 =	vand.u32 $0x400, v9;
	v25 =	vand.u32 $0x7F, v25  }
0x195: {  	v16 =	vor.u32 v13, v9;
	v13 =	vor.u32 v1, v8;
	v9 =	vshll.u32 v24, $0x3  }
0x196: {  	v28 =	vor.u32 v1, v16;
	v15 =	vand.u32 $0x7F, v24;
	v9 =	vand.u32 $0xFFFFFC00, v9;
	v26 =	vld.idx.msk [tilespmem:v26+s2+$0x0], $0xffff  }
0x197: {  	v31 =	vor.u32 v1, v27;
	v24 =	vshll.u32 v29, $0x3;
	v9 =	vor.u32 v15, v9  }
0x198: {  	v15 =	vmov s1;
	v32 =	vld.idx.msk [tilespmem:v11+s2+$0x0], $0xffff;
	v11 =	vand.u32 $0xFFFFFC00, v24;
	v24 =	vand.u32 $0x400, v30  }
0x199: {  	v29 =	vand.u32 $0x7F, v29;
	v30 =	vand.u32 $0x7F, v12;
	v12 =	vshll.u32 v12, $0x3  }
0x19a: {  	v22 =	vand.u32 $0xFFFFFC00, v22;
	v12 =	vand.u32 $0xFFFFFC00, v12;
	v11 =	vor.u32 v29, v11;
	v13 =	vld.idx.msk [tilespmem:v13+s2+$0x0], $0xffff  }
0x19b: {  	v12 =	vor.u32 v30, v12;
	v29 =	vadd.s32 v2, v11;
	v11 =	vor.u32 v25, v22;
	v28 =	vld.idx.msk [tilespmem:v28+s2+$0x0], $0xffff  }
0x19c: {  	v22 =	vshll.u32 v26, $0x3;
	v12 =	vadd.s32 v2, v12;
	v25 =	vadd.s32 v2, v11  }
0x19d: {  	v19 =	vor.u32 v4, v19;
	v11 =	vand.u32 $0x7F, v26;
	v22 =	vand.u32 $0xFFFFFC00, v22  }
0x19e: {  	v17 =	vor.u32 v4, v17;
	v26 =	vand.u32 $0x7F, v32;
	v11 =	vor.u32 v11, v22  }
0x19f: {  	v18 =	vor.u32 v4, v18;
	v30 =	vshll.u32 v15, $0x3;
	v22 =	vadd.s32 v2, v11  }
0x1a0: {  	v23 =	vand.u32 $0x79, v23;
	v11 =	vand.u32 $0x7F, v13;
	[tilespmem:v29+s9+$0x0] =	vst.idx.add.f32.msk $0xffff, v3;
	v29 =	vor.u32 v1, v14  }
0x1a1: {  	v23 =	vor.u32 v23, v24;
	v32 =	vshll.u32 v32, $0x3;
	v33 =	vshll.u32 v28, $0x3;
	[tilespmem:v25+s9+$0x0] =	vst.idx.add.f32.msk $0xffff, v3  }
0x1a2: {  	s0 =	sadd.s32 $0xE, s13;
	v27 =	vor.u32 v4, v27;
	v24 =	vand.u32 $0x7F, v28;
	v25 =	vor.u32 v1, v23;
	[tilespmem:v12+s9+$0x0] =	vst.idx.add.f32.msk $0xffff, v3  }
0x1a3: {  	v21 =	vor.u32 v4, v21;
	v12 =	vand.u32 $0xFFFFFC00, v32;
	v28 =	vld.idx.msk [tilespmem:v31+s2+$0x0], $0xffff;
	v31 =	vmov s0  }
0x1a4: {  	v32 =	vand.u32 $0xFFFFFC00, v33;
	v26 =	vor.u32 v26, v12;
	s0 =	sadd.s32 $0xF, s13;
	[tilespmem:v22+s9+$0x0] =	vst.idx.add.f32.msk $0xffff, v3;
	v22 =	vand.u32 $0x7E, v31  }
0x1a5: {  	v20 =	vor.u32 v4, v20;
	v12 =	vshll.u32 v13, $0x3;
	v13 =	vmov s0;
	v17 =	vld.idx.msk [tilespmem:v17+s2+$0x0], $0xffff  }
0x1a6: {  	v24 =	vor.u32 v24, v32;
	v31 =	vshll.u32 v31, $0x3;
	v32 =	vshll.u32 v13, $0x3;
	v29 =	vld.idx.msk [tilespmem:v29+s2+$0x0], $0xffff  }
0x1a7: {  	v33 =	vand.u32 $0x72, v10;
	v31 =	vand.u32 $0x400, v31;
	v34 =	vand.u32 $0x7F, v13;
	v25 =	vld.idx.msk [tilespmem:v25+s2+$0x0], $0xffff  }
0x1a8: {  	v10 =	vshll.u32 v10, $0x3;
	v13 =	vor.u32 v22, v31;
	v22 =	vand.u32 $0x400, v32;
	v21 =	vld.idx.msk [tilespmem:v21+s2+$0x0], $0xffff  }
0x1a9: {  	v10 =	vand.u32 $0x400, v10;
	v22 =	vor.u32 v34, v22;
	v31 =	vshll.u32 v28, $0x3  }
0x1aa: {  	v32 =	vor.u32 v33, v10;
	v10 =	vand.u32 $0x7F, v28;
	v28 =	vand.u32 $0xFFFFFC00, v31  }
0x1ab: {  	v31 =	vor.u32 v1, v32;
	v33 =	vshll.u32 v17, $0x3;
	v10 =	vor.u32 v10, v28  }
0x1ac: {  	v34 =	vor.u32 v1, v22;
	v28 =	vor.u32 v1, v13;
	v10 =	vadd.s32 v2, v10  }
0x1ad: {  	v36 =	vand.u32 $0x7F, v29;
	v35 =	vand.u32 $0x7F, v25;
	v25 =	vshll.u32 v25, $0x3;
	v18 =	vld.idx.msk [tilespmem:v18+s2+$0x0], $0xffff  }
0x1ae: {  	v17 =	vand.u32 $0x7F, v17;
	v29 =	vshll.u32 v29, $0x3;
	v37 =	vshll.u32 v21, $0x3  }
0x1af: {  	v14 =	vor.u32 v4, v14;
	v21 =	vand.u32 $0x7F, v21;
	v37 =	vand.u32 $0xFFFFFC00, v37  }
0x1b0: {  	v24 =	vadd.s32 v2, v24;
	v25 =	vand.u32 $0xFFFFFC00, v25;
	v21 =	vor.u32 v21, v37;
	v31 =	vld.idx.msk [tilespmem:v31+s2+$0x0], $0xffff  }
0x1b1: {  	v16 =	vor.u32 v4, v16;
	v25 =	vor.u32 v35, v25;
	v21 =	vadd.s32 v5, v21;
	v34 =	vld.idx.msk [tilespmem:v34+s2+$0x0], $0xffff  }
0x1b2: {  	v26 =	vadd.s32 v2, v26;
	v29 =	vand.u32 $0xFFFFFC00, v29;
	v25 =	vadd.s32 v2, v25;
	[tilespmem:v10+s9+$0x0] =	vst.idx.add.f32.msk $0xffff, v3  }
0x1b3: {  	v23 =	vor.u32 v4, v23;
	v10 =	vand.u32 $0xFFFFFC00, v33;
	v33 =	vand.u32 $0x7F, v18;
	v27 =	vld.idx.msk [tilespmem:v27+s2+$0x0], $0xffff  }
0x1b4: {  	v15 =	vand.u32 $0x76, v15;
	v30 =	vand.u32 $0x400, v30;
	v10 =	vor.u32 v17, v10;
	v19 =	vld.idx.msk [tilespmem:v19+s2+$0x0], $0xffff  }
0x1b5: {  	v15 =	vor.u32 v15, v30;
	v17 =	vmov s13;
	[tilespmem:v24+s9+$0x0] =	vst.idx.add.f32.msk $0xffff, v3;
	v24 =	vadd.s32 v5, v10  }
0x1b6: {  	v30 =	vand.u32 $0x70, v17;
	v17 =	vshll.u32 v17, $0x3;
	v10 =	vor.u32 v4, v15;
	v16 =	vld.idx.msk [tilespmem:v16+s2+$0x0], $0xffff  }
0x1b7: {  	v17 =	vand.u32 $0x400, v17;
	[tilespmem:v26+s9+$0x0] =	vst.idx.add.f32.msk $0xffff, v3;
	v26 =	vand.u32 $0x7F, v34;
	v34 =	vshll.u32 v34, $0x3  }
0x1b8: {  	v29 =	vor.u32 v36, v29;
	v17 =	vor.u32 v30, v17;
	v20 =	vld.idx.msk [tilespmem:v20+s2+$0x0], $0xffff;
	v30 =	vand.u32 $0xFFFFFC00, v34  }
0x1b9: {  	v34 =	vshll.u32 v31, $0x3;
	[tilespmem:v25+s9+$0x0] =	vst.idx.add.f32.msk $0xffff, v3;
	v25 =	vand.u32 $0x7F, v27;
	v27 =	vshll.u32 v27, $0x3  }
0x1ba: {  	v34 =	vand.u32 $0xFFFFFC00, v34;
	v26 =	vor.u32 v26, v30;
	v23 =	vld.idx.msk [tilespmem:v23+s2+$0x0], $0xffff;
	v27 =	vand.u32 $0xFFFFFC00, v27  }
0x1bb: {  	v18 =	vshll.u32 v18, $0x3;
	[tilespmem:v24+s9+$0x0] =	vst.idx.add.f32.msk $0xffff, v3;
	v24 =	vor.u32 v25, v27;
	v25 =	vadd.s32 v2, v26  }
0x1bc: {  	v22 =	vor.u32 v4, v22;
	v26 =	vand.u32 $0x7F, v16;
	v27 =	vand.u32 $0x7F, v31;
	v28 =	vld.idx.msk [tilespmem:v28+s2+$0x0], $0xffff  }
0x1bd: {  	v18 =	vand.u32 $0xFFFFFC00, v18;
	v30 =	vor.u32 v1, v17;
	v27 =	vor.u32 v27, v34;
	[tilespmem:v21+s9+$0x0] =	vst.idx.add.f32.msk $0xffff, v3  }
0x1be: {  	v21 =	vadd.s32 v2, v27;
	v27 =	vand.u32 $0x7F, v20  }
0x1bf: {  	v7 =	vor.u32 v4, v7;
	v18 =	vor.u32 v33, v18;
	v31 =	vor.u32 v4, v32  }
0x1c0: {  	v18 =	vadd.s32 v5, v18;
	v32 =	vshll.u32 v19, $0x3;
	v33 =	vshll.u32 v23, $0x3;
	[tilespmem:v25+s9+$0x0] =	vst.idx.add.f32.msk $0xffff, v3  }
0x1c1: {  	v15 =	vor.u32 v1, v15;
	v24 =	vadd.s32 v5, v24;
	v23 =	vand.u32 $0x7F, v23;
	v22 =	vld.idx.msk [tilespmem:v22+s2+$0x0], $0xffff  }
0x1c2: {  	v12 =	vand.u32 $0xFFFFFC00, v12;
	v29 =	vadd.s32 v2, v29;
	v16 =	vshll.u32 v16, $0x3;
	v25 =	vld.idx.msk [tilespmem:v30+s2+$0x0], $0xffff  }
0x1c3: {  	v11 =	vor.u32 v11, v12;
	v16 =	vand.u32 $0xFFFFFC00, v16;
	v12 =	vand.u32 $0x7F, v28;
	[tilespmem:v21+s9+$0x0] =	vst.idx.add.f32.msk $0xffff, v3  }
0x1c4: {  	v8 =	vor.u32 v4, v8;
	v9 =	vadd.s32 v2, v9;
	v11 =	vadd.s32 v2, v11;
	v21 =	vld.idx.msk [tilespmem:v31+s2+$0x0], $0xffff  }
0x1c5: {  	v13 =	vor.u32 v4, v13;
	v30 =	vand.u32 $0xFFFFFC00, v32;
	[tilespmem:v18+s9+$0x0] =	vst.idx.add.f32.msk $0xffff, v3;
	v18 =	vshll.u32 v28, $0x3  }
0x1c6: {  	v19 =	vand.u32 $0x7F, v19;
	v16 =	vor.u32 v26, v16;
	v15 =	vld.idx.msk [tilespmem:v15+s2+$0x0], $0xffff;
	v18 =	vand.u32 $0xFFFFFC00, v18  }
0x1c7: {  	v17 =	vor.u32 v4, v17;
	v16 =	vadd.s32 v5, v16;
	v26 =	vshll.u32 v22, $0x3;
	[tilespmem:v29+s9+$0x0] =	vst.idx.add.f32.msk $0xffff, v3  }
0x1c8: {  	v28 =	vshll.u32 v25, $0x3;
	v12 =	vor.u32 v12, v18;
	v18 =	vand.u32 $0x7F, v22;
	v14 =	vld.idx.msk [tilespmem:v14+s2+$0x0], $0xffff  }
0x1c9: {  	v22 =	vand.u32 $0x7F, v25;
	v25 =	vand.u32 $0xFFFFFC00, v28;
	[tilespmem:v11+s9+$0x0] =	vst.idx.add.f32.msk $0xffff, v3;
	v11 =	vand.u32 $0xFFFFFC00, v26  }
0x1ca: {  	v12 =	vadd.s32 v2, v12;
	v22 =	vor.u32 v22, v25;
	v25 =	vshll.u32 v21, $0x3;
	[tilespmem:v24+s9+$0x0] =	vst.idx.add.f32.msk $0xffff, v3  }
0x1cb: {  	v21 =	vand.u32 $0x7F, v21;
	v22 =	vadd.s32 v2, v22;
	v24 =	vand.u32 $0xFFFFFC00, v25  }
0x1cc: {  	v20 =	vshll.u32 v20, $0x3;
	v21 =	vor.u32 v21, v24;
	v24 =	vshll.u32 v15, $0x3;
	v8 =	vld.idx.msk [tilespmem:v8+s2+$0x0], $0xffff  }
0x1cd: {  	v20 =	vand.u32 $0xFFFFFC00, v20;
	v21 =	vadd.s32 v5, v21;
	v24 =	vand.u32 $0xFFFFFC00, v24;
	[tilespmem:v9+s9+$0x0] =	vst.idx.add.f32.msk $0xffff, v3  }
0x1ce: {  	v11 =	vor.u32 v18, v11;
	v9 =	vor.u32 v19, v30;
	v19 =	vshll.u32 v14, $0x3;
	v7 =	vld.idx.msk [tilespmem:v7+s2+$0x0], $0xffff  }
0x1cf: {  	v18 =	vor.u32 v27, v20;
	v15 =	vand.u32 $0x7F, v15;
	v9 =	vadd.s32 v5, v9;
	[tilespmem:v12+s9+$0x0] =	vst.idx.add.f32.msk $0xffff, v3  }
0x1d0: {  	v14 =	vand.u32 $0x7F, v14;
	v12 =	vor.u32 v15, v24;
	v15 =	vand.u32 $0xFFFFFC00, v19;
	[tilespmem:v22+s9+$0x0] =	vst.idx.add.f32.msk $0xffff, v3  }
0x1d1: {  	v18 =	vadd.s32 v5, v18;
	v12 =	vadd.s32 v2, v12;
	v14 =	vor.u32 v14, v15;
	v13 =	vld.idx.msk [tilespmem:v13+s2+$0x0], $0xffff  }
0x1d2: {  	v19 =	vand.u32 $0xFFFFFC00, v33;
	v14 =	vadd.s32 v5, v14;
	v15 =	vld.idx.msk [tilespmem:v17+s2+$0x0], $0xffff;
	v17 =	vshll.u32 v8, $0x3  }
0x1d3: {  	v20 =	vadd.s32 v5, v11;
	v8 =	vand.u32 $0x7F, v8;
	[tilespmem:v21+s9+$0x0] =	vst.idx.add.f32.msk $0xffff, v3;
	v17 =	vand.u32 $0xFFFFFC00, v17  }
0x1d4: {  	v11 =	vshll.u32 v7, $0x3;
	v8 =	vor.u32 v8, v17;
	[tilespmem:v9+s9+$0x0] =	vst.idx.add.f32.msk $0xffff, v3;
	v9 =	vor.u32 v23, v19  }
0x1d5: {  	v11 =	vand.u32 $0xFFFFFC00, v11;
	[tilespmem:v16+s9+$0x0] =	vst.idx.add.f32.msk $0xffff, v3;
	v9 =	vadd.s32 v5, v9;
	v16 =	vand.u32 $0x7F, v7  }
.Ltmp1:
0x1d6: {  	v7 =	vadd.s32 v5, v8;
	[tilespmem:v12+s9+$0x0] =	vst.idx.add.f32.msk $0xffff, v3;
	v11 =	vor.u32 v16, v11;
	(pc) =	sbr.rel @p0 .LBB2_4-.Ltmp1, $4  }
0x1d7: {  	v12 =	vshll.u32 v13, $0x3;
	v8 =	vld.idx.msk [tilespmem:v10+s2+$0x0], $0xffff;
	v11 =	vadd.s32 v5, v11;
	v10 =	vand.u32 $0x7F, v13  }
0x1d8: {  	v13 =	vand.u32 $0x7F, v15;
	v15 =	vshll.u32 v15, $0x3;
	v12 =	vand.u32 $0xFFFFFC00, v12;
	[tilespmem:v20+s9+$0x0] =	vst.idx.add.f32.msk $0xffff, v3  }
0x1d9: {  	v15 =	vand.u32 $0xFFFFFC00, v15;
	v10 =	vor.u32 v10, v12;
	[tilespmem:v14+s9+$0x0] =	vst.idx.add.f32.msk $0xffff, v3  }
0x1da: {  	s14 =	smov.u32 s12;
	v12 =	vor.u32 v13, v15;
	[tilespmem:v18+s9+$0x0] =	vst.idx.add.f32.msk $0xffff, v3  }
0x1db: {  	_ = 	snop  }
0x1dc: {  	v13 =	vshll.u32 v8, $0x3  }
0x1dd: {  	v12 =	vadd.s32 v5, v12;
	v8 =	vand.u32 $0x7F, v8;
	v13 =	vand.u32 $0xFFFFFC00, v13  }
0x1de: {  	v10 =	vadd.s32 v5, v10;
	v8 =	vor.u32 v8, v13  }
0x1df: {  	[tilespmem:v9+s9+$0x0] =	vst.idx.add.f32.msk $0xffff, v3;
	v8 =	vadd.s32 v5, v8  }
0x1e0: {  	[tilespmem:v11+s9+$0x0] =	vst.idx.add.f32.msk $0xffff, v3  }
0x1e1: {  	[tilespmem:v7+s9+$0x0] =	vst.idx.add.f32.msk $0xffff, v3  }
0x1e2: {  	[tilespmem:v12+s9+$0x0] =	vst.idx.add.f32.msk $0xffff, v3  }
0x1e3: {  	[tilespmem:v10+s9+$0x0] =	vst.idx.add.f32.msk $0xffff, v3  }
0x1e4: {  	[tilespmem:v8+s9+$0x0] =	vst.idx.add.f32.msk $0xffff, v3  }
.LBB2_6:
0x1e5: {  	v7 =	vmov s11  }
0x1e6: {  	v8 =	vshll.u32 v7, $0x3  }
0x1e7: {  	v7 =	vand.u32 $0x7F, v7;
	v8 =	vand.u32 $0x400, v8  }
0x1e8: {  	v7 =	vor.u32 v7, v8  }
0x1e9: {  	v8 =	vor.u32 v1, v7;
	_ =	sdelay $0x3  }
0x1ea: {  	s1 =	simm.s32 $0x0  }
0x1eb: {  	v8 =	vld.idx.msk [tilespmem:v8+s1+$0x0], $0xffff;
	_ =	sdelay $0x4  }
0x1ec: {  	v9 =	vshll.u32 v8, $0x3  }
0x1ed: {  	v8 =	vand.u32 $0x7F, v8;
	v9 =	vand.u32 $0xFFFFFC00, v9  }
0x1ee: {  	v8 =	vor.u32 v8, v9  }
0x1ef: {  	v8 =	vadd.s32 v2, v8  }
0x1f0: {  	v7 =	vor.u32 v4, v7;
	_ =	sdelay $0x3  }
0x1f1: {  	[tilespmem:v8+s9+$0x0] =	vst.idx.add.f32.msk $0xffff, v3  }
0x1f2: {  	v7 =	vld.idx.msk [tilespmem:v7+s1+$0x0], $0xffff;
	_ =	sdelay $0x4  }
0x1f3: {  	v8 =	vshll.u32 v7, $0x3  }
0x1f4: {  	v7 =	vand.u32 $0x7F, v7;
	v8 =	vand.u32 $0xFFFFFC00, v8  }
0x1f5: {  	v7 =	vor.u32 v7, v8  }
0x1f6: {  	p0 =	sne.s32 s11, $0xC7;
	v7 =	vadd.s32 v5, v7  }
.Ltmp2:
0x1f7: {  	_ = 	snop;
	(pc) =	sbr.rel @p0 .LBB2_6-.Ltmp2, $2  }
0x1f8: {  	_ =	sdelay $0x2  }
0x1f9: {  	s11 =	sadd.s32 $0x1, s11;
	[tilespmem:v7+s9+$0x0] =	vst.idx.add.f32.msk $0xffff, v3  }
0x1fa: {  	s0 =	simm.s32 $0x1;
	s3 =	simm.s32 $0x2  }
0x1fb: {  	s14 =	simm.s32 $0x6;
	s17 =	simm.s32 $0x7;
	s19 =	simm.s32 $0x8;
	v7 =	vmov s0;
	v8 =	vmov s3  }
0x1fc: {  	s30 =	simm.s32 $0xA;
	s31 =	simm.s32 $0xD;
	v10 =	vmov s14;
	v17 =	vmov s17;
	v19 =	vmov s19  }
0x1fd: {  	v34 =	vmov s30;
	v36 =	vmov s31;
	v7 =	vand.u32 $0x7F, v7  }
0x1fe: {  	v8 =	vand.u32 $0xFE, v8;
	v10 =	vand.u32 $0xFE, v10;
	v19 =	vand.u32 $0xFE, v19  }
0x1ff: {  	v17 =	vand.u32 $0xFF, v17;
	v9 =	vbroadcast v7, $0x0;
	v7 =	vmov s1  }
0x200: {  	v34 =	vand.u32 $0x7E, v34;
	v11 =	vadd.s32 v6, v8;
	v7 =	vand.u32 $0x7E, v7  }
0x201: {  	s15 =	simm.s32 $0x9;
	v36 =	vand.u32 $0xFF, v36;
	v14 =	vadd.s32 v6, v10;
	v13 =	vbroadcast v7, $0x0  }
0x202: {  	s16 =	simm.s32 $0x4;
	v24 =	vadd.s32 v6, v17;
	v12 =	vor.u32 v6, v9;
	v7 =	vmov s15  }
0x203: {  	s18 =	simm.s32 $0x5;
	v15 =	vand.u32 $0xFF, v7;
	v7 =	vmov s16;
	v16 =	vor.u32 v6, v13  }
0x204: {  	s20 =	simm.s32 $0x3;
	v18 =	vadd.s32 v6, v15;
	v20 =	vand.u32 $0xFE, v7;
	v7 =	vmov s18  }
0x205: {  	v26 =	vadd.s32 v6, v19;
	v11 =	vld.idx.msk [tilespmem:v11+s8+$0x0], $0xffff;
	v21 =	vand.u32 $0xFF, v7;
	v7 =	vmov s20  }
0x206: {  	v42 =	vadd.s32 v6, v36;
	v22 =	vadd.s32 v6, v20;
	v14 =	vld.idx.msk [tilespmem:v14+s8+$0x0], $0xffff;
	v25 =	vand.u32 $0xFF, v7  }
0x207: {  	v23 =	vadd.s32 v6, v21;
	v7 =	vor.u32 $0x800, v6;
	v12 =	vld.idx.msk [tilespmem:v12+s8+$0x0], $0xffff;
	v27 =	vadd.s32 v6, v25  }
0x208: {  	v8 =	vadd.s32 v7, v8;
	v15 =	vadd.s32 v7, v15;
	v19 =	vadd.s32 v7, v19;
	v16 =	vld.idx.msk [tilespmem:v16+s8+$0x0], $0xffff  }
0x209: {  	v10 =	vadd.s32 v7, v10;
	v25 =	vadd.s32 v7, v25;
	v13 =	vor.u32 v7, v13;
	v18 =	vld.idx.msk [tilespmem:v18+s8+$0x0], $0xffff  }
0x20a: {  	v9 =	vor.u32 v7, v9;
	v20 =	vadd.s32 v7, v20;
	v17 =	vadd.s32 v7, v17  }
0x20b: {  	v28 =	vshll.u32 v11, $0x3;
	v22 =	vld.idx.msk [tilespmem:v22+s8+$0x0], $0xffff;
	v11 =	vand.u32 $0x7F, v11;
	v30 =	vshll.u32 v14, $0x3  }
0x20c: {  	v14 =	vand.u32 $0x7F, v14;
	v28 =	vand.u32 $0xFFFFFC00, v28;
	v30 =	vand.u32 $0xFFFFFC00, v30  }
0x20d: {  	v24 =	vld.idx.msk [tilespmem:v24+s8+$0x0], $0xffff;
	v29 =	vshll.u32 v12, $0x3;
	v12 =	vand.u32 $0x7F, v12;
	v11 =	vor.u32 v11, v28  }
0x20e: {  	v23 =	vld.idx.msk [tilespmem:v23+s8+$0x0], $0xffff;
	v29 =	vand.u32 $0xFFFFFC00, v29;
	v31 =	vshll.u32 v16, $0x3;
	v32 =	vand.u32 $0x7F, v18  }
0x20f: {  	v16 =	vand.u32 $0x7F, v16;
	v18 =	vshll.u32 v18, $0x3;
	v12 =	vor.u32 v12, v29  }
0x210: {  	v31 =	vand.u32 $0xFFFFFC00, v31;
	v18 =	vand.u32 $0xFFFFFC00, v18;
	v29 =	vshll.u32 v22, $0x3  }
0x211: {  	v12 =	vadd.s32 v2, v12;
	v22 =	vand.u32 $0x7F, v22;
	v16 =	vor.u32 v16, v31  }
0x212: {  	v27 =	vld.idx.msk [tilespmem:v27+s8+$0x0], $0xffff;
	v18 =	vor.u32 v32, v18;
	v31 =	vshll.u32 v24, $0x3;
	v16 =	vadd.s32 v2, v16  }
0x213: {  	v28 =	vshll.u32 v23, $0x3;
	v29 =	vand.u32 $0xFFFFFC00, v29;
	v18 =	vadd.s32 v2, v18  }
0x214: {  	s22 =	simm.s32 $0xC;
	s23 =	simm.s32 $0xE;
	v23 =	vand.u32 $0x7F, v23;
	v28 =	vand.u32 $0xFFFFFC00, v28;
	v22 =	vor.u32 v22, v29  }
0x215: {  	v26 =	vld.idx.msk [tilespmem:v26+s8+$0x0], $0xffff;
	v29 =	vmov s23;
	v23 =	vor.u32 v23, v28;
	v28 =	vmov s22  }
0x216: {  	v29 =	vand.u32 $0xFE, v29;
	v23 =	vadd.s32 v2, v23;
	v28 =	vand.u32 $0xFE, v28;
	[tilespmem:v12+s9+$0x0] =	vst.idx.msk $0xffff, v0  }
0x217: {  	v45 =	vadd.s32 v6, v29;
	v12 =	vand.u32 $0x7F, v27;
	[tilespmem:v16+s9+$0x0] =	vst.idx.msk $0xffff, v0;
	v16 =	vand.u32 $0x7F, v24  }
0x218: {  	v24 =	vadd.s32 v2, v11;
	v11 =	vshll.u32 v27, $0x3;
	[tilespmem:v18+s9+$0x0] =	vst.idx.msk $0xffff, v0;
	v18 =	vand.u32 $0xFFFFFC00, v31  }
0x219: {  	v9 =	vld.idx.msk [tilespmem:v9+s8+$0x0], $0xffff;
	v11 =	vand.u32 $0xFFFFFC00, v11;
	v16 =	vor.u32 v16, v18;
	v18 =	vadd.s32 v2, v22  }
0x21a: {  	s24 =	simm.s32 $0x10;
	s26 =	simm.s32 $0x12;
	v27 =	vor.u32 v12, v11;
	v12 =	vor.u32 v14, v30;
	v14 =	vshll.u32 v26, $0x3  }
0x21b: {  	v11 =	vld.idx.msk [tilespmem:v15+s8+$0x0], $0xffff;
	v15 =	vand.u32 $0x7F, v26;
	[tilespmem:v23+s9+$0x0] =	vst.idx.msk $0xffff, v0;
	v23 =	vmov s24;
	v30 =	vmov s26  }
0x21c: {  	s21 =	simm.s32 $0xB;
	v13 =	vld.idx.msk [tilespmem:v13+s8+$0x0], $0xffff;
	v14 =	vand.u32 $0xFFFFFC00, v14;
	v22 =	vadd.s32 v2, v12;
	v26 =	vadd.s32 v2, v27  }
0x21d: {  	v27 =	vmov s21;
	v23 =	vand.u32 $0xFE, v23;
	v30 =	vand.u32 $0xFE, v30  }
0x21e: {  	v61 =	vld.idx.msk [tilespmem:v45+s8+$0x0], $0xffff;
	v14 =	vor.u32 v15, v14;
	v15 =	vadd.s32 v7, v21;
	v21 =	vshll.u32 v9, $0x3  }
0x21f: {  	v27 =	vand.u32 $0x7F, v27;
	v60 =	vadd.s32 v6, v23;
	v41 =	vadd.s32 v6, v30  }
0x220: {  	v9 =	vand.u32 $0x7F, v9;
	v14 =	vadd.s32 v2, v14;
	[tilespmem:v24+s9+$0x0] =	vst.idx.msk $0xffff, v0;
	v24 =	vadd.s32 v2, v16  }
0x221: {  	v12 =	vand.u32 $0xFFFFFC00, v21;
	v21 =	vand.u32 $0x7F, v13;
	v13 =	vshll.u32 v13, $0x3  }
0x222: {  	v9 =	vor.u32 v9, v12;
	v16 =	vand.u32 $0x7F, v11;
	v13 =	vand.u32 $0xFFFFFC00, v13  }
0x223: {  	s25 =	simm.s32 $0x11;
	v8 =	vld.idx.msk [tilespmem:v8+s8+$0x0], $0xffff;
	v53 =	vshll.u32 v61, $0x3;
	v55 =	vand.u32 $0x7F, v61;
	v11 =	vshll.u32 v11, $0x3  }
0x224: {  	s28 =	simm.s32 $0x13;
	v13 =	vor.u32 v21, v13;
	v21 =	vbroadcast v27, $0x0;
	v27 =	vmov s25  }
0x225: {  	[tilespmem:v22+s9+$0x0] =	vst.idx.msk $0xffff, v0;
	v22 =	vmov s28;
	v11 =	vand.u32 $0xFFFFFC00, v11;
	v15 =	vld.idx.msk [tilespmem:v15+s8+$0x0], $0xffff;
	v59 =	vadd.s32 v5, v13  }
0x226: {  	s29 =	simm.s32 $0xF;
	[tilespmem:v26+s9+$0x0] =	vst.idx.msk $0xffff, v0;
	v10 =	vld.idx.msk [tilespmem:v10+s8+$0x0], $0xffff;
	v13 =	vand.u32 $0xFF, v22;
	v27 =	vand.u32 $0xFF, v27;
	v11 =	vor.u32 v16, v11  }
0x227: {  	v25 =	vld.idx.msk [tilespmem:v25+s8+$0x0], $0xffff;
	v31 =	vor.u32 v6, v21;
	[tilespmem:v24+s9+$0x0] =	vst.idx.msk $0xffff, v0;
	v24 =	vmov s29;
	v33 =	vadd.s32 v6, v13  }
0x228: {  	[tilespmem:v14+s9+$0x0] =	vst.idx.msk $0xffff, v0;
	v40 =	vadd.s32 v6, v27;
	v21 =	vor.u32 v7, v21;
	v14 =	vshll.u32 v8, $0x3  }
0x229: {  	v8 =	vand.u32 $0x7F, v8;
	v24 =	vand.u32 $0xFF, v24;
	v14 =	vand.u32 $0xFFFFFC00, v14  }
0x22a: {  	v16 =	vadd.s32 v5, v11;
	v19 =	vld.idx.msk [tilespmem:v19+s8+$0x0], $0xffff;
	v37 =	vadd.s32 v6, v24;
	v8 =	vor.u32 v8, v14  }
0x22b: {  	v14 =	vadd.s32 v6, v28;
	v22 =	vand.u32 $0x7F, v15;
	v35 =	vand.u32 $0x7F, v10  }
0x22c: {  	v39 =	vshll.u32 v10, $0x3;
	v43 =	vshll.u32 v25, $0x3;
	v46 =	vadd.s32 v5, v8  }
0x22d: {  	[tilespmem:v18+s9+$0x0] =	vst.idx.msk $0xffff, v0;
	v17 =	vld.idx.msk [tilespmem:v17+s8+$0x0], $0xffff;
	v25 =	vand.u32 $0x7F, v25;
	v15 =	vshll.u32 v15, $0x3;
	v43 =	vand.u32 $0xFFFFFC00, v43  }
0x22e: {  	v20 =	vld.idx.msk [tilespmem:v20+s8+$0x0], $0xffff;
	v52 =	vand.u32 $0xFFFFFC00, v39;
	v15 =	vand.u32 $0xFFFFFC00, v15;
	v39 =	vand.u32 $0xFFFFFC00, v53  }
0x22f: {  	v8 =	vld.idx.msk [tilespmem:v60+s8+$0x0], $0xffff;
	v26 =	vand.u32 $0x7F, v19;
	v19 =	vshll.u32 v19, $0x3;
	v35 =	vor.u32 v35, v52  }
0x230: {  	v31 =	vld.idx.msk [tilespmem:v31+s8+$0x0], $0xffff;
	v22 =	vor.u32 v22, v15;
	v15 =	vadd.s32 v7, v29;
	v61 =	vor.u32 v25, v43  }
0x231: {  	v40 =	vld.idx.msk [tilespmem:v40+s8+$0x0], $0xffff;
	v18 =	vand.u32 $0xFFFFFC00, v19;
	v19 =	vbroadcast v34, $0x0;
	v34 =	vadd.s32 v7, v28  }
0x232: {  	v28 =	vadd.s32 v7, v13;
	v29 =	vadd.s32 v5, v35;
	v38 =	vld.idx.msk [tilespmem:v14+s8+$0x0], $0xffff;
	v14 =	vshll.u32 v17, $0x3  }
0x233: {  	v17 =	vand.u32 $0x7F, v17;
	v18 =	vor.u32 v26, v18;
	v10 =	vor.u32 v6, v19  }
0x234: {  	v44 =	vand.u32 $0xFFFFFC00, v14;
	v14 =	vadd.s32 v7, v30;
	v30 =	vshll.u32 v20, $0x3  }
0x235: {  	v26 =	vld.idx.msk [tilespmem:v37+s8+$0x0], $0xffff;
	v20 =	vand.u32 $0x7F, v20;
	v63 =	vshll.u32 v8, $0x3;
	v54 =	vor.u32 v7, v19  }
0x236: {  	[tilespmem:v59+s9+$0x0] =	vst.idx.msk $0xffff, v0;
	v59 =	vadd.s32 v5, v18;
	v8 =	vand.u32 $0x7F, v8;
	v48 =	vshll.u32 v31, $0x3  }
0x237: {  	v33 =	vld.idx.msk [tilespmem:v33+s8+$0x0], $0xffff;
	v17 =	vor.u32 v17, v44;
	v31 =	vand.u32 $0x7F, v31;
	v56 =	vshll.u32 v40, $0x3  }
0x238: {  	v58 =	vand.u32 $0xFFFFFC00, v63;
	v62 =	vand.u32 $0xFFFFFC00, v48;
	v17 =	vadd.s32 v5, v17  }
0x239: {  	v31 =	vor.u32 v31, v62;
	[tilespmem:v29+s9+$0x0] =	vst.idx.msk $0xffff, v0;
	v29 =	vadd.s32 v5, v22;
	v47 =	vld.idx.msk [tilespmem:v10+s8+$0x0], $0xffff  }
0x23a: {  	v13 =	vshll.u32 v38, $0x3;
	v31 =	vadd.s32 v2, v31;
	v57 =	vand.u32 $0x7F, v26  }
0x23b: {  	v49 =	vand.u32 $0xFFFFFC00, v13;
	v13 =	vadd.s32 v7, v23;
	v23 =	vand.u32 $0xFFFFFC00, v30  }
0x23c: {  	v23 =	vor.u32 v20, v23;
	v20 =	vand.u32 $0x7F, v33;
	v33 =	vshll.u32 v33, $0x3  }
0x23d: {  	v41 =	vld.idx.msk [tilespmem:v41+s8+$0x0], $0xffff;
	v26 =	vshll.u32 v26, $0x3;
	v30 =	vand.u32 $0x7F, v38;
	v33 =	vand.u32 $0xFFFFFC00, v33  }
0x23e: {  	v10 =	vadd.s32 v7, v36;
	v19 =	vor.u32 v20, v33;
	v48 =	vshll.u32 v47, $0x3  }
0x23f: {  	v20 =	vld.idx.msk [tilespmem:v42+s8+$0x0], $0xffff;
	v19 =	vadd.s32 v2, v19;
	v50 =	vand.u32 $0x7F, v47;
	v38 =	vand.u32 $0xFFFFFC00, v48  }
0x240: {  	[tilespmem:v46+s9+$0x0] =	vst.idx.msk $0xffff, v0;
	v26 =	vand.u32 $0xFFFFFC00, v26;
	v30 =	vor.u32 v30, v49;
	v51 =	vor.u32 v50, v38  }
0x241: {  	[tilespmem:v17+s9+$0x0] =	vst.idx.msk $0xffff, v0;
	v17 =	vor.u32 v57, v26;
	v26 =	vand.u32 $0x7F, v40;
	v37 =	vadd.s32 v2, v51  }
0x242: {  	v30 =	vadd.s32 v2, v30;
	[tilespmem:v31+s9+$0x0] =	vst.idx.msk $0xffff, v0;
	v31 =	vor.u32 v8, v58;
	v8 =	vshll.u32 v41, $0x3  }
0x243: {  	v62 =	vadd.s32 v5, v23;
	v18 =	vadd.s32 v2, v17;
	v25 =	vand.u32 $0xFFFFFC00, v8;
	v8 =	vld.idx.msk [tilespmem:v21+s8+$0x0], $0xffff  }
0x244: {  	v17 =	vadd.s32 v7, v27;
	v27 =	vand.u32 $0xFFFFFC00, v56;
	v60 =	vshll.u32 v20, $0x3;
	[tilespmem:v19+s9+$0x0] =	vst.idx.msk $0xffff, v0  }
0x245: {  	[tilespmem:v59+s9+$0x0] =	vst.idx.msk $0xffff, v0;
	v23 =	vor.u32 v26, v27;
	v20 =	vand.u32 $0x7F, v20;
	v19 =	vand.u32 $0xFFFFFC00, v60;
	v63 =	vld.idx.msk [tilespmem:v28+s8+$0x0], $0xffff  }
0x246: {  	v21 =	vor.u32 v55, v39;
	v20 =	vor.u32 v20, v19;
	v19 =	vand.u32 $0x7F, v41;
	[tilespmem:v37+s9+$0x0] =	vst.idx.msk $0xffff, v0  }
0x247: {  	v22 =	vadd.s32 v2, v31;
	v19 =	vor.u32 v19, v25;
	v25 =	vadd.s32 v7, v24;
	v24 =	vld.idx.msk [tilespmem:v54+s8+$0x0], $0xffff  }
0x248: {  	[tilespmem:v29+s9+$0x0] =	vst.idx.msk $0xffff, v0;
	v28 =	vadd.s32 v2, v23;
	v12 =	vshll.u32 v8, $0x3;
	v23 =	vadd.s32 v5, v9  }
0x249: {  	[tilespmem:v30+s9+$0x0] =	vst.idx.msk $0xffff, v0;
	v11 =	vand.u32 $0xFFFFFC00, v12;
	v26 =	vadd.s32 v2, v19;
	v19 =	vadd.s32 v2, v21  }
0x24a: {  	s12 =	simm.s32 $0x14;
	[tilespmem:v62+s9+$0x0] =	vst.idx.msk $0xffff, v0;
	v27 =	vld.idx.msk [tilespmem:v34+s8+$0x0], $0xffff;
	v21 =	vadd.s32 v5, v61;
	v9 =	vand.u32 $0x7F, v63;
	v12 =	vshll.u32 v63, $0x3  }
.LBB2_8:
0x24b: {  	s0 =	sadd.s32 $0x1, s12  }
0x24c: {  	s3 =	sadd.s32 $0x2, s12;
	s1 =	sadd.s32 $0x3, s12;
	v29 =	vand.u32 $0x7F, v24;
	v24 =	vshll.u32 v24, $0x3;
	v30 =	vadd.s32 v2, v20;
	[tilespmem:v18+s9+$0x0] =	vst.idx.msk $0xffff, v0;
	s13 =	smov.u32 s12  }
0x24d: {  	s11 =	sadd.s32 $0xA, s12;
	v18 =	vmov s0;
	v31 =	vmov s3;
	s0 =	sadd.s32 $0x4, s13;
	s3 =	sadd.s32 $0x5, s13;
	v20 =	vand.u32 $0xFFFFFC00, v24;
	[tilespmem:v28+s9+$0x0] =	vst.idx.msk $0xffff, v0  }
0x24e: {  	p0 =	slt.u32 s12, $0x5A;
	s14 =	sadd.s32 $0x7, s13;
	v18 =	vand.u32 $0x7F, v18;
	v24 =	vmov s0;
	s0 =	sadd.s32 $0x6, s13;
	v28 =	vor.u32 v29, v20;
	v20 =	vld.idx.msk [tilespmem:v25+s8+$0x0], $0xffff;
	[tilespmem:v26+s9+$0x0] =	vst.idx.msk $0xffff, v0  }
0x24f: {  	v26 =	vshll.u32 v27, $0x3;
	v18 =	vbroadcast v18, $0x0;
	v25 =	vmov s0;
	s0 =	sadd.s32 $0x8, s13;
	v14 =	vld.idx.msk [tilespmem:v14+s8+$0x0], $0xffff;
	[tilespmem:v23+s9+$0x0] =	vst.idx.msk $0xffff, v0  }
0x250: {  	v27 =	vand.u32 $0x7F, v27;
	v23 =	vmov s14;
	v29 =	vmov s0;
	[tilespmem:v21+s9+$0x0] =	vst.idx.msk $0xffff, v0  }
0x251: {  	v26 =	vand.u32 $0xFFFFFC00, v26;
	v25 =	vand.u32 $0xFE, v25;
	v21 =	vor.u32 v6, v18;
	[tilespmem:v22+s9+$0x0] =	vst.idx.msk $0xffff, v0  }
0x252: {  	s0 =	sadd.s32 $0x9, s13;
	v26 =	vor.u32 v27, v26;
	v22 =	vand.u32 $0xFE, v31;
	v29 =	vand.u32 $0xFE, v29;
	v13 =	vld.idx.msk [tilespmem:v13+s8+$0x0], $0xffff;
	[tilespmem:v16+s9+$0x0] =	vst.idx.msk $0xffff, v0  }
0x253: {  	v28 =	vadd.s32 v5, v28;
	v27 =	vadd.s32 v6, v22;
	v16 =	vmov s0  }
0x254: {  	v24 =	vand.u32 $0xFE, v24;
	v31 =	vand.u32 $0xFF, v16;
	[tilespmem:v30+s9+$0x0] =	vst.idx.msk $0xffff, v0;
	v30 =	vand.u32 $0x7F, v20;
	v17 =	vld.idx.msk [tilespmem:v17+s8+$0x0], $0xffff  }
0x255: {  	v16 =	vmov s3;
	v32 =	vadd.s32 v6, v31;
	v10 =	vld.idx.msk [tilespmem:v10+s8+$0x0], $0xffff;
	[tilespmem:v19+s9+$0x0] =	vst.idx.msk $0xffff, v0;
	v19 =	vand.u32 $0x7F, v14  }
0x256: {  	v33 =	vmov s13;
	v16 =	vand.u32 $0xFF, v16;
	v14 =	vshll.u32 v14, $0x3;
	v15 =	vld.idx.msk [tilespmem:v15+s8+$0x0], $0xffff  }
0x257: {  	v33 =	vand.u32 $0x7E, v33;
	v23 =	vand.u32 $0xFF, v23;
	v34 =	vand.u32 $0xFFFFFC00, v14  }
0x258: {  	v33 =	vbroadcast v33, $0x0;
	v14 =	vadd.s32 v6, v25;
	[tilespmem:v28+s9+$0x0] =	vst.idx.msk $0xffff, v0;
	v28 =	vand.u32 $0x7F, v13  }
0x259: {  	v35 =	vmov s1;
	v36 =	vadd.s32 v6, v16;
	v37 =	vshll.u32 v13, $0x3;
	v27 =	vld.idx.msk [tilespmem:v27+s8+$0x0], $0xffff  }
0x25a: {  	v38 =	vadd.s32 v6, v23;
	v13 =	vor.u32 v6, v33;
	v39 =	vshll.u32 v17, $0x3;
	v21 =	vld.idx.msk [tilespmem:v21+s8+$0x0], $0xffff  }
0x25b: {  	v35 =	vand.u32 $0xFF, v35;
	v40 =	vadd.s32 v6, v29;
	v17 =	vand.u32 $0x7F, v17;
	v32 =	vld.idx.msk [tilespmem:v32+s8+$0x0], $0xffff  }
0x25c: {  	v41 =	vadd.s32 v6, v35;
	v42 =	vshll.u32 v10, $0x3;
	v39 =	vand.u32 $0xFFFFFC00, v39  }
0x25d: {  	v43 =	vadd.s32 v6, v24;
	v45 =	vadd.s32 v5, v26;
	v44 =	vld.idx.msk [tilespmem:v14+s8+$0x0], $0xffff  }
0x25e: {  	v46 =	vadd.s32 v7, v22;
	v26 =	vadd.s32 v7, v31;
	v31 =	vand.u32 $0x7F, v10;
	v22 =	vld.idx.msk [tilespmem:v36+s8+$0x0], $0xffff  }
0x25f: {  	v14 =	vadd.s32 v7, v29;
	v29 =	vshll.u32 v15, $0x3;
	v10 =	vshll.u32 v27, $0x3;
	v36 =	vld.idx.msk [tilespmem:v13+s8+$0x0], $0xffff  }
0x260: {  	v17 =	vor.u32 v17, v39;
	v47 =	vshll.u32 v21, $0x3;
	v48 =	vand.u32 $0xFFFFFC00, v10;
	v38 =	vld.idx.msk [tilespmem:v38+s8+$0x0], $0xffff  }
0x261: {  	v21 =	vand.u32 $0x7F, v21;
	v13 =	vadd.s32 v7, v25;
	v25 =	vand.u32 $0xFFFFFC00, v29  }
0x262: {  	v15 =	vand.u32 $0x7F, v15;
	v27 =	vand.u32 $0x7F, v27;
	v10 =	vadd.s32 v7, v35;
	v29 =	vld.idx.msk [tilespmem:v43+s8+$0x0], $0xffff  }
0x263: {  	v17 =	vadd.s32 v5, v17;
	v35 =	vand.u32 $0xFFFFFC00, v47;
	v39 =	vld.idx.msk [tilespmem:v41+s8+$0x0], $0xffff;
	v41 =	vshll.u32 v44, $0x3  }
0x264: {  	v25 =	vor.u32 v15, v25;
	v43 =	vand.u32 $0x7F, v32;
	v32 =	vshll.u32 v32, $0x3  }
0x265: {  	v21 =	vor.u32 v21, v35;
	v35 =	vand.u32 $0xFFFFFC00, v42;
	v15 =	vshll.u32 v36, $0x3  }
0x266: {  	v19 =	vor.u32 v19, v34;
	v36 =	vand.u32 $0x7F, v36;
	v15 =	vand.u32 $0xFFFFFC00, v15  }
0x267: {  	v34 =	vand.u32 $0xFFFFFC00, v37;
	v32 =	vand.u32 $0xFFFFFC00, v32;
	v15 =	vor.u32 v36, v15  }
0x268: {  	v28 =	vor.u32 v28, v34;
	v36 =	vadd.s32 v2, v15;
	v15 =	vshll.u32 v29, $0x3;
	[tilespmem:v17+s9+$0x0] =	vst.idx.msk $0xffff, v0  }
0x269: {  	v20 =	vshll.u32 v20, $0x3;
	v33 =	vor.u32 v7, v33;
	v17 =	vor.u32 v43, v32  }
0x26a: {  	v29 =	vand.u32 $0x7F, v29;
	v32 =	vadd.s32 v2, v17;
	v17 =	vand.u32 $0xFFFFFC00, v20  }
0x26b: {  	v20 =	vadd.s32 v2, v21;
	v21 =	vshll.u32 v38, $0x3;
	v30 =	vor.u32 v30, v17  }
0x26c: {  	v34 =	vand.u32 $0x7F, v22;
	v17 =	vor.u32 v27, v48;
	v27 =	vand.u32 $0xFFFFFC00, v15  }
0x26d: {  	v37 =	vor.u32 v7, v18;
	v18 =	vshll.u32 v22, $0x3;
	v22 =	vand.u32 $0xFFFFFC00, v41;
	v40 =	vld.idx.msk [tilespmem:v40+s8+$0x0], $0xffff  }
0x26e: {  	v28 =	vadd.s32 v5, v28;
	v18 =	vand.u32 $0xFFFFFC00, v18;
	v15 =	vadd.s32 v7, v24  }
0x26f: {  	v19 =	vadd.s32 v5, v19;
	v18 =	vor.u32 v34, v18;
	v34 =	vand.u32 $0x7F, v38  }
0x270: {  	v31 =	vor.u32 v31, v35;
	v38 =	vshll.u32 v39, $0x3;
	[tilespmem:v36+s9+$0x0] =	vst.idx.msk $0xffff, v0;
	v36 =	vadd.s32 v2, v17  }
0x271: {  	v18 =	vadd.s32 v2, v18;
	v35 =	vand.u32 $0x7F, v39;
	v17 =	vadd.s32 v7, v23;
	[tilespmem:v32+s9+$0x0] =	vst.idx.msk $0xffff, v0  }
0x272: {  	v21 =	vand.u32 $0xFFFFFC00, v21;
	v23 =	vand.u32 $0x7F, v44;
	v24 =	vld.idx.msk [tilespmem:v33+s8+$0x0], $0xffff;
	[tilespmem:v20+s9+$0x0] =	vst.idx.msk $0xffff, v0;
	v20 =	vand.u32 $0xFFFFFC00, v38  }
0x273: {  	v22 =	vor.u32 v23, v22;
	v23 =	vshll.u32 v40, $0x3;
	v20 =	vor.u32 v35, v20;
	[tilespmem:v28+s9+$0x0] =	vst.idx.msk $0xffff, v0  }
0x274: {  	v30 =	vadd.s32 v5, v30;
	v28 =	vand.u32 $0x7F, v40;
	v23 =	vand.u32 $0xFFFFFC00, v23;
	v32 =	vld.idx.msk [tilespmem:v37+s8+$0x0], $0xffff;
	[tilespmem:v19+s9+$0x0] =	vst.idx.msk $0xffff, v0  }
0x275: {  	v33 =	vadd.s32 v5, v25;
	v19 =	vor.u32 v29, v27;
	v23 =	vor.u32 v28, v23;
	v29 =	vld.idx.msk [tilespmem:v26+s8+$0x0], $0xffff  }
0x276: {  	v25 =	vadd.s32 v7, v16;
	v16 =	vor.u32 v34, v21;
	v26 =	vadd.s32 v2, v23  }
.Ltmp3:
0x277: {  	v8 =	vand.u32 $0x7F, v8;
	v22 =	vadd.s32 v2, v22;
	v19 =	vadd.s32 v2, v19;
	[tilespmem:v45+s9+$0x0] =	vst.idx.msk $0xffff, v0;
	(pc) =	sbr.rel @p0 .LBB2_8-.Ltmp3, $4  }
0x278: {  	v12 =	vand.u32 $0xFFFFFC00, v12;
	v21 =	vadd.s32 v5, v31;
	v28 =	vadd.s32 v2, v16;
	[tilespmem:v36+s9+$0x0] =	vst.idx.msk $0xffff, v0  }
0x279: {  	v9 =	vor.u32 v9, v12;
	v31 =	vor.u32 v8, v11;
	v27 =	vld.idx.msk [tilespmem:v46+s8+$0x0], $0xffff;
	[tilespmem:v30+s9+$0x0] =	vst.idx.msk $0xffff, v0  }
0x27a: {  	v16 =	vadd.s32 v5, v9;
	v23 =	vadd.s32 v5, v31;
	v11 =	vshll.u32 v32, $0x3;
	[tilespmem:v33+s9+$0x0] =	vst.idx.msk $0xffff, v0  }
0x27b: {  	s12 =	smov.u32 s11;
	v8 =	vmovc v32;
	v11 =	vand.u32 $0xFFFFFC00, v11;
	v9 =	vand.u32 $0x7F, v29;
	v12 =	vshll.u32 v29, $0x3  }
0x27c: {  	_ =	sdelay $0x3  }
0x27d: {  	[tilespmem:v18+s9+$0x0] =	vst.idx.msk $0xffff, v0  }
0x27e: {  	v7 =	vadd.s32 v2, v20;
	[tilespmem:v26+s9+$0x0] =	vst.idx.msk $0xffff, v0  }
0x27f: {  	[tilespmem:v22+s9+$0x0] =	vst.idx.msk $0xffff, v0;
	v18 =	vld.idx.msk [tilespmem:v25+s8+$0x0], $0xffff  }
0x280: {  	[tilespmem:v28+s9+$0x0] =	vst.idx.msk $0xffff, v0;
	v49 =	vshll.u32 v24, $0x3;
	v14 =	vld.idx.msk [tilespmem:v14+s8+$0x0], $0xffff  }
0x281: {  	v50 =	vand.u32 $0x7F, v24;
	[tilespmem:v19+s9+$0x0] =	vst.idx.msk $0xffff, v0;
	v8 =	vand.u32 $0x7F, v8;
	v63 =	vand.u32 $0xFFFFFC00, v12;
	v13 =	vld.idx.msk [tilespmem:v13+s8+$0x0], $0xffff  }
0x282: {  	v20 =	vand.u32 $0xFFFFFC00, v49;
	v15 =	vld.idx.msk [tilespmem:v15+s8+$0x0], $0xffff;
	v8 =	vor.u32 v8, v11;
	v9 =	vor.u32 v9, v63  }
0x283: {  	v51 =	vshll.u32 v27, $0x3;
	v52 =	vand.u32 $0x7F, v27;
	v8 =	vadd.s32 v5, v8;
	[tilespmem:v7+s9+$0x0] =	vst.idx.msk $0xffff, v0;
	v7 =	vld.idx.msk [tilespmem:v17+s8+$0x0], $0xffff  }
0x284: {  	v9 =	vadd.s32 v5, v9;
	v22 =	vand.u32 $0xFFFFFC00, v51;
	v17 =	vor.u32 v50, v20  }
0x285: {  	v20 =	vor.u32 v52, v22;
	v17 =	vadd.s32 v5, v17;
	v53 =	vshll.u32 v14, $0x3  }
0x286: {  	v54 =	vand.u32 $0x7F, v18;
	v14 =	vand.u32 $0x7F, v14;
	v56 =	vand.u32 $0x7F, v13  }
0x287: {  	v10 =	vld.idx.msk [tilespmem:v10+s8+$0x0], $0xffff;
	v13 =	vshll.u32 v13, $0x3;
	v20 =	vadd.s32 v5, v20;
	v18 =	vshll.u32 v18, $0x3  }
0x288: {  	[tilespmem:v23+s9+$0x0] =	vst.idx.msk $0xffff, v0;
	v59 =	vshll.u32 v15, $0x3;
	v15 =	vand.u32 $0x7F, v15;
	v57 =	vshll.u32 v7, $0x3  }
0x289: {  	[tilespmem:v21+s9+$0x0] =	vst.idx.msk $0xffff, v0;
	v55 =	vand.u32 $0xFFFFFC00, v53;
	v7 =	vand.u32 $0x7F, v7;
	v25 =	vand.u32 $0xFFFFFC00, v57  }
0x28a: {  	[tilespmem:v16+s9+$0x0] =	vst.idx.msk $0xffff, v0;
	v13 =	vand.u32 $0xFFFFFC00, v13;
	v18 =	vand.u32 $0xFFFFFC00, v18;
	v7 =	vor.u32 v7, v25  }
0x28b: {  	v13 =	vor.u32 v56, v13;
	v14 =	vor.u32 v14, v55;
	v7 =	vadd.s32 v5, v7  }
0x28c: {  	[tilespmem:v8+s9+$0x0] =	vst.idx.msk $0xffff, v0;
	v18 =	vor.u32 v54, v18;
	v13 =	vadd.s32 v5, v13;
	v58 =	vshll.u32 v10, $0x3  }
0x28d: {  	[tilespmem:v9+s9+$0x0] =	vst.idx.msk $0xffff, v0;
	v14 =	vadd.s32 v5, v14;
	v10 =	vand.u32 $0x7F, v10;
	v62 =	vand.u32 $0xFFFFFC00, v58  }
0x28e: {  	v60 =	vand.u32 $0xFFFFFC00, v59;
	v61 =	vadd.s32 v5, v18;
	[tilespmem:v17+s9+$0x0] =	vst.idx.msk $0xffff, v0;
	v10 =	vor.u32 v10, v62  }
0x28f: {  	v15 =	vor.u32 v15, v60;
	[tilespmem:v20+s9+$0x0] =	vst.idx.msk $0xffff, v0;
	v10 =	vadd.s32 v5, v10  }
0x290: {  	[tilespmem:v7+s9+$0x0] =	vst.idx.msk $0xffff, v0;
	v7 =	vadd.s32 v5, v15  }
0x291: {  	[tilespmem:v13+s9+$0x0] =	vst.idx.msk $0xffff, v0  }
0x292: {  	[tilespmem:v14+s9+$0x0] =	vst.idx.msk $0xffff, v0  }
0x293: {  	s10 =	sadd.s32 $0x1, s10;
	[tilespmem:v61+s9+$0x0] =	vst.idx.msk $0xffff, v0  }
0x294: {  	p0 =	sne.s32 s10, s6;
	[tilespmem:v10+s9+$0x0] =	vst.idx.msk $0xffff, v0  }
.Ltmp4:
0x295: {  	[tilespmem:v7+s9+$0x0] =	vst.idx.msk $0xffff, v0;
	(pc) =	sbr.rel @p0 .LBB2_1-.Ltmp4, $4  }
0x296: {  	[hbm4b:s5+s2] =	stream.linear.scatter [tilespmem:s9], [sflag:$0x1], $0x8000, $0x38;
	[tilespmem:$0xB000] =	vst v63  }
0x297: {  	_ =	swait.ge [sflag:s7], $0x8000  }
0x298: {  	[sflag:s7] =	ssyncset.done $0x0  }
0x299: {  	[sflag:s7] =	ssyncadd.s32 $0xFFFF8000  }
0x29a: {  	_ =	sfence.sel $0x180000  }
0x29b: {  	[bflag:$0x0] =	sbarrier.arrive $0xFFFF  }
0x29c: {  	_ =	strace $0x90000047  }
0x29d: {  	s0 =	stileid.u32;
	[bflag:$0x2] =	sbarrier.arrive $0xFFFF  }
0x29e: {  	p0 =	sne.s32 s0, $0x0;
	s0 =	rddreg [dreg:$0x1]  }
0x29f: {  	s0 =	sadd.s32 @!p0 $0x100000, s0  }
0x2a0: {  	[sflag:s0] =	ssyncadd.tile.s32 @!p0 $0x1;
	_ =	shalt  }
.Lfunc_end2:
_tile_overlayer_lowered:
.L_overlay_start_2:
0x2a1: {  	(tag) =	ssettag $0x2  }
0x2a2: {  	s0 =	rddreg [dreg:$0x0];
	s2 =	stileid.u32  }
0x2a3: {  	s1 =	rddreg [dreg:$0x1];
	p0 =	sne.s32 s2, $0x0  }
0x2a4: {  	s3 =	rddreg [dreg:$0x2];
	[bflag:$0x3] =	sbarrier.arrive $0xFFFF;
	s2 =	simm.s32 @!p0 $0x1C01  }
0x2a5: {  	[timem:s3], [sflag:s2] =	dma.local @!p0 [hbm:s0], s1  }
0x2a6: {  	s0 =	simm.s32 @!p0 $0x1  }
0x2a7: {  	_ =	swait.ge @!p0 [sflag:s0], s1  }
0x2a8: {  	s1 =	ssub.s32 @!p0 $0x0, s1;
	[sflag:s0] =	ssyncset.done @!p0 $0x0  }
0x2a9: {  	[sflag:s0] =	ssyncadd.s32 @!p0 s1  }
0x2aa: {  	[bflag:$0x3] =	sbarrier.arrive $0xFFFF  }
0x2ab: {  	_ =	shalt  }

// kernel: kernel.8.cloned.1.call-start
scs
__scs_entry_jumppad:
0x0: {  	(pc) =	sbr.rel $0x88, $3  }
0x1: {  	(tag) =	ssettag $0x0;
	lr =	simm.s32 $0x1  }
0x2: {  	[smem:$0x3F9E] =	sst lr;
	_ =	strace $0xD0000000  }
0x3: {  	_ = 	snop  }
0x4: {  	_ = 	snop  }
0x5: {  	_ = 	snop  }
0x6: {  	_ = 	snop  }
0x7: {  	_ = 	snop  }
__scs_overlays_trampoline_lowered:
0x8: {  	[smem:$0x3FAD] =	sst s0  }
0x9: {  	[smem:$0x3FAE] =	sst s1  }
0xa: {  	[smem:$0x3FAF] =	sst s2  }
0xb: {  	[smem:$0x3FB0] =	sst s3  }
0xc: {  	[smem:$0x3FB1] =	sst s4  }
0xd: {  	[smem:$0x3FB2] =	sst s5  }
0xe: {  	[smem:$0x3FB3] =	sst s6  }
0xf: {  	[smem:$0x3FB4] =	sst s7  }
0x10: {  	[smem:$0x3FB5] =	sst s8  }
0x11: {  	[smem:$0x3FB6] =	sst s9;
	s0 =	simm.s32 @!p0 $0x0  }
0x12: {  	s1 =	sld [smem:$0x3F9C];
	s0 =	simm.s32 @p0 $0x1  }
0x13: {  	[smem:$0x3FB7] =	sst s0;
	s0 =	simm.s32 @!p1 $0x0  }
0x14: {  	s2 =	sld [smem:$0x3F9B];
	s0 =	simm.s32 @p1 $0x1  }
0x15: {  	[smem:$0x3FB8] =	sst s0;
	s0 =	simm.s32 @!p2 $0x0  }
0x16: {  	s3 =	sld [smem:$0x3FDB];
	s0 =	simm.s32 @p2 $0x1  }
0x17: {  	s4 =	simm.s32 $0x1BF5;
	[smem:$0x3FBA] =	sst s0  }
0x18: {  	s0 =	sld [smem:$0x3F9D];
	_ =	swait.ge [sflag:s4], $0x0  }
0x19: {  	s7 =	sld [smem:$0x3F9E]  }
0x1a: {  	s8 =	sadd.s32 $0xFFFFE003, lr  }
0x1b: {  	s9 =	sadd.s32 $0xFFFFFEF7, lr;
	s5 =	simm.s32 $0xFFFFFFFF;
	p2 =	slt.u32 s8, $0xFFFFF086  }
0x1c: {  	p1 =	slt.u32 s9, $0xF7A;
	s5 =	simm.s32 @!p2 $0x0  }
0x1d: {  	s5 =	simm.s32 @p1 $0x1;
	p0 =	seq.s32 s7, s2  }
0x1e: {  	s7 =	smul.u32 @!p0 $0xF7A, s2;
	p2 =	seq.s32 @!p0 s5, $0x0  }
0x1f: {  	s9 =	smul.u32 $0xF7A, s1;
	s8 =	simm.s32 @!p0 $0x1BF5;
	p2 =	por !p2, p0  }
0x20: {  	[sflag:s8] =	ssyncset.s32 @!p0 $0xFFFFF086;
	s6 =	sadd.s32 @!p0 s3, s7;
	s7 =	simm.s32 @!p0 $0x108  }
0x21: {  	s3 =	sadd.s32 s3, s9;
	s6 =	sadd.s32 @!p0 $0x88, s6;
	s7 =	simm.s32 @p2 $0x1082  }
0x22: {  	[simem:s7], [sflag:s8] =	dma.local @!p0 [hbm:s6], $0xF7A  }
0x23: {  	s9 =	sor.u32 $0xD0000000, s2;
	s6 =	simm.s32 $0x108;
	_ =	swait.ge @!p0 [sflag:s8], $0x0  }
0x24: {  	s3 =	sadd.s32 $0x88, s3;
	s6 =	simm.s32 @!p1 $0x1082;
	[sflag:s4] =	ssyncset.s32 $0xFFFFF086  }
0x25: {  	[simem:s6], [sflag:s4] =	dma.local [hbm:s3], $0xF7A  }
0x26: {  	[smem:$0x3F9E] =	sst s1;
	(tag) =	ssettag s2;
	_ =	strace s9  }
0x27: {  	s1 =	sld [smem:$0x3FAE]  }
0x28: {  	s2 =	sld [smem:$0x3FAF]  }
0x29: {  	s4 =	sld [smem:$0x3FB1]  }
0x2a: {  	p0 =	seq.s32 s5, $0x0;
	s5 =	sld [smem:$0x3FB2]  }
0x2b: {  	s6 =	sld [smem:$0x3FB3]  }
0x2c: {  	s7 =	sld [smem:$0x3FB4]  }
0x2d: {  	s3 =	simm.s32 $0x108;
	s8 =	sld [smem:$0x3FB5]  }
0x2e: {  	s3 =	simm.s32 @!p0 $0x1082;
	s9 =	sld [smem:$0x3FB6]  }
0x2f: {  	lr =	sadd.s32 s0, s3;
	s0 =	sld [smem:$0x3FAD]  }
0x30: {  	s3 =	sld [smem:$0x3FB0]  }
0x31: {  	[smem:$0x3FB9] =	sst s10  }
0x32: {  	s10 =	sld [smem:$0x3FB7];
	_ =	sdelay $0x3  }
0x33: {  	p0 =	seq.s32 s10, $0x1;
	s10 =	sld [smem:$0x3FB9];
	_ =	sdelay $0x3  }
0x34: {  	[smem:$0x3FB9] =	sst s10  }
0x35: {  	s10 =	sld [smem:$0x3FB8];
	_ =	sdelay $0x3  }
0x36: {  	p1 =	seq.s32 s10, $0x1;
	s10 =	sld [smem:$0x3FB9];
	_ =	sdelay $0x3  }
0x37: {  	[smem:$0x3FB9] =	sst s10  }
0x38: {  	s10 =	sld [smem:$0x3FBA]  }
0x39: {  	_ = 	snop;
	(pc) =	sbr.ind lr, $3  }
0x3a: {  	_ = 	snop  }
0x3b: {  	_ = 	snop  }
0x3c: {  	p2 =	seq.s32 s10, $0x1;
	s10 =	sld [smem:$0x3FB9]  }
0x3d: {  	_ =	shalt  }
0x3e: {  	_ =	shalt  }
0x3f: {  	_ =	shalt  }
0x40: {  	_ =	shalt  }
0x41: {  	_ =	shalt  }
0x42: {  	_ =	shalt  }
0x43: {  	_ =	shalt  }
0x44: {  	_ =	shalt  }
0x45: {  	_ =	shalt  }
0x46: {  	_ =	shalt  }
0x47: {  	_ =	shalt  }
0x48: {  	_ =	shalt  }
0x49: {  	_ =	shalt  }
0x4a: {  	_ =	shalt  }
0x4b: {  	_ =	shalt  }
0x4c: {  	_ =	shalt  }
0x4d: {  	_ =	shalt  }
0x4e: {  	_ =	shalt  }
0x4f: {  	_ =	shalt  }
0x50: {  	_ =	shalt  }
0x51: {  	_ =	shalt  }
0x52: {  	_ =	shalt  }
0x53: {  	_ =	shalt  }
0x54: {  	_ =	shalt  }
0x55: {  	_ =	shalt  }
0x56: {  	_ =	shalt  }
0x57: {  	_ =	shalt  }
0x58: {  	_ =	shalt  }
0x59: {  	_ =	shalt  }
0x5a: {  	_ =	shalt  }
0x5b: {  	_ =	shalt  }
0x5c: {  	_ =	shalt  }
0x5d: {  	_ =	shalt  }
0x5e: {  	_ =	shalt  }
0x5f: {  	_ =	shalt  }
0x60: {  	_ =	shalt  }
0x61: {  	_ =	shalt  }
0x62: {  	_ =	shalt  }
0x63: {  	_ =	shalt  }
0x64: {  	_ =	shalt  }
0x65: {  	_ =	shalt  }
0x66: {  	_ =	shalt  }
0x67: {  	_ =	shalt  }
0x68: {  	_ =	shalt  }
0x69: {  	_ =	shalt  }
0x6a: {  	_ =	shalt  }
0x6b: {  	_ =	shalt  }
0x6c: {  	_ =	shalt  }
0x6d: {  	_ =	shalt  }
0x6e: {  	_ =	shalt  }
0x6f: {  	_ =	shalt  }
0x70: {  	_ =	shalt  }
0x71: {  	_ =	shalt  }
0x72: {  	_ =	shalt  }
0x73: {  	_ =	shalt  }
0x74: {  	_ =	shalt  }
0x75: {  	_ =	shalt  }
0x76: {  	_ =	shalt  }
0x77: {  	_ =	shalt  }
0x78: {  	_ =	shalt  }
0x79: {  	_ =	shalt  }
0x7a: {  	_ =	shalt  }
0x7b: {  	_ =	shalt  }
0x7c: {  	_ =	shalt  }
0x7d: {  	_ =	shalt  }
0x7e: {  	_ =	shalt  }
0x7f: {  	_ =	shalt  }
0x80: {  	_ =	shalt  }
0x81: {  	_ =	shalt  }
0x82: {  	_ =	shalt  }
0x83: {  	_ =	shalt  }
0x84: {  	_ =	shalt  }
0x85: {  	_ =	shalt  }
0x86: {  	_ =	shalt  }
0x87: {  	_ =	shalt  }
.Lfunc_end0:
.L_simem_size_0:
called_computation.1_lowered:
.L_overlay_start_0:
0x88: {  	s2 =	sld [smem:$0x3FD9]  }
0x89: {  	s3 =	sld [smem:$0x3FFE];
	_ =	sdelay $0x1  }
0x8a: {  	s1 =	srdreg.scid  }
0x8b: {  	s0 =	sand.u32 $0x1, s1  }
0x8c: {  	s16 =	sshll.u32 s0, $0xA;
	s2 =	sadd.s32 s3, s2  }
0x8d: {  	s2 =	sadd.s32 s2, s16  }
0x8e: {  	[smem:$0x3FC5] =	sst s2  }
0x8f: {  	_ = 	snop  }
0x90: {  	(tm) =	ssettm $0x1  }
0x91: {  	s17 =	sld [smem:$0x3FFB];
	_ =	sdelay $0x3  }
0x92: {  	_ =	strace s17  }
0x93: {  	s2 =	sld [smem:$0x3FFC];
	_ =	sdelay $0x3  }
0x94: {  	_ =	strace s2  }
0x95: {  	s2 =	sld [smem:$0x3FFD];
	_ =	sdelay $0x3  }
0x96: {  	_ =	strace s2  }
0x97: {  	_ =	strace $0x8FFFFFFF  }
0x98: {  	s18 =	sld [smem:$0x3FDB];
	_ =	sdelay $0x1  }
0x99: {  	s19 =	simm.s32 $_scs_section_size  }
0x9a: {  	s4 =	simm.s32 $_size__tile_overlayer_lowered;
	s5 =	simm.s32 $_tile_overlayer_lowered  }
0x9b: {  	s22 =	simm.s32 $0x1BFF;
	s21 =	sshll.u32 s5, $0x1;
	s2 =	sadd.s32 s19, s18  }
0x9c: {  	s6 =	simm.s32 $0x0;
	s20 =	sshll.u32 s4, $0x1;
	s4 =	sadd.s32 s21, s2  }
0x9d: {  	[timem:s6], [sflag:s22] =	dma.local [hbm:s4], s20  }
0x9e: {  	_ =	swait.ge [sflag:s22], s20  }
0x9f: {  	s3 =	ssub.s32 $0x0, s20;
	[sflag:s22] =	ssyncset.done $0x0  }
0xa0: {  	[sflag:s22] =	ssyncadd.s32 s3;
	_ =	sdelay $0x1  }
0xa1: {  	s23 =	simm.s32 $0x1B8B  }
0xa2: {  	_ =	swait.ge [sflag:s23], $0x1  }
0xa3: {  	[sflag:s23] =	ssyncset.done $0x0  }
0xa4: {  	s25 =	simm.s32 $0x1B8E;
	s24 =	sld [smem:$0x3FFE];
	[sflag:s23] =	ssyncadd.s32 $0xFFFFFFFF  }
0xa5: {  	s26 =	simm.s32 $execute0_lowered;
	[smem:$0x3FD2] =	sst s25  }
0xa6: {  	s4 =	sshll.u32 s26, $0x1;
	_ =	strace $0x80000049;
	[dreg:$0x1] =	wrdreg $0xFFFFFFFF  }
0xa7: {  	s28 =	simm.s32 $_size_execute0_lowered;
	s2 =	sadd.s32 s2, s4;
	[dreg:$0x0] =	wrdreg $0x0  }
0xa8: {  	s4 =	sshll.u32 s28, $0x1;
	[dreg:$0x2] =	wrdreg s2  }
0xa9: {  	[dreg:$0x3] =	wrdreg s4  }
0xaa: {  	[dreg:$0x4] =	wrdreg $0xC0  }
0xab: {  	_ =	task [dreg:s6], $0x5FFFF  }
0xac: {  	[dreg:$0x1] =	wrdreg $0xFFFFFFFF  }
0xad: {  	[dreg:$0x0] =	wrdreg $0x60  }
0xae: {  	[dreg:$0x2] =	wrdreg s24  }
0xaf: {  	[dreg:$0x3] =	wrdreg $0x9  }
0xb0: {  	_ =	task.clear_ibuf [dreg:s6], $0x4FFFF;
	_ =	strace $0x90000049  }
0xb1: {  	s29 =	simm.s32 $0x9;
	_ =	strace $0x8000004B  }
0xb2: {  	_ =	swait.ge [sflag:s29], $0x1  }
0xb3: {  	[sflag:s29] =	ssyncadd.s32 $0xFFFFFFFF  }
0xb4: {  	_ =	strace $0x9000004B  }
0xb5: {  	_ =	sfence  }
0xb6: {  	s30 =	sld [smem:$0x0];
	_ =	sdelay $0x2  }
0xb7: {  	s31 =	sshll.u32 s1, $0xD;
	s1 =	sshrl.u32 s1, $0x2  }
0xb8: {  	s3 =	sand.u32 $0x4000, s31;
	s1 =	sadd.s32 s1, s30  }
0xb9: {  	s0 =	sor.u32 s3, s0;
	s1 =	sshll.u32 s1, $0x11  }
0xba: {  	s0 =	sor.u32 s1, s0  }
0xbb: {  	s0 =	sadd.s32 $0x8F2B, s0  }
0xbc: {  	[sflag:s0] =	ssyncadd.remote.s32 $0x1  }
0xbd: {  	_ =	sfence.sel $0xFFFF  }
0xbe: {  	[dreg:$0x0] =	wrdreg $0xFFFFFFFF;
	(pc) =	sbr.abs _section_cstart, $3  }
0xbf: {  	[dreg:$0x1] =	wrdreg $0xFFFFFFFF  }
0xc0: {  	_ =	task.clear_ibuf [dreg:s6], $0x2FFFF;
	_ =	strace $0x9FFFFFFF  }
0xc1: {  	(tm) =	ssettm $0x7FFFFFFF  }
tec
execute0_lowered:
.L_overlay_start_1:
0x0: {  	(tag) =	ssettag $0x1  }
0x1: {  	v0 =	vlaneseq.u32;
	v1 =	vimm.s32 $0x2380  }
0x2: {  	vm0 =	vcmask $0x300;
	v2 =	vimm.s32 $0x6380;
	vm1 =	vcmask $0x704  }
0x3: {  	vm15 =	vcmask $0xB08;
	v1 =	vsel vm0, $0x0, v1;
	v2 =	vsel vm0, $0x4000, v2  }
0x4: {  	vm4 =	vcmask $0xF0C;
	v1 =	vsel vm1, $0x80, v1;
	v2 =	vsel vm1, $0x4080, v2  }
0x5: {  	vm5 =	vcmask $0x1310;
	v1 =	vsel vm15, $0x100, v1;
	v2 =	vsel vm15, $0x4100, v2  }
0x6: {  	vm6 =	vcmask $0x1714;
	v1 =	vsel vm4, $0x180, v1;
	v2 =	vsel vm4, $0x4180, v2  }
0x7: {  	vm7 =	vcmask $0x1B18;
	v1 =	vsel vm5, $0x200, v1;
	v2 =	vsel vm5, $0x4200, v2  }
0x8: {  	s3 =	rddreg [dreg:$0x0];
	vm8 =	vcmask $0x1F1C;
	v1 =	vsel vm6, $0x280, v1;
	v2 =	vsel vm6, $0x4280, v2  }
0x9: {  	s0 =	rddreg [dreg:$0x1];
	vm9 =	vcmask $0x2320;
	v1 =	vsel vm7, $0x300, v1;
	v2 =	vsel vm7, $0x4300, v2  }
0xa: {  	s4 =	srdreg.scid;
	s2 =	simm.s32 $0x0;
	s1 =	stileid.u32;
	vm10 =	vcmask $0x2724;
	v1 =	vsel vm8, $0x380, v1;
	v2 =	vsel vm8, $0x4380, v2  }
0xb: {  	vm11 =	vcmask $0x2B28;
	s8 =	simm.s32 $0x8000;
	s9 =	simm.s32 $0x9000;
	s4 =	sand.u32 $0x1, s4;
	v1 =	vsel vm9, $0x2000, v1;
	v2 =	vsel vm9, $0x6000, v2  }
0xc: {  	vm12 =	vcmask $0x2F2C;
	[smem:$0x7FF] =	sst s2;
	s5 =	sshll.u32 s1, $0x6;
	s6 =	sshll.u32 s4, $0x5;
	v1 =	vsel vm10, $0x2080, v1;
	v2 =	vsel vm10, $0x6080, v2  }
0xd: {  	vm13 =	vcmask $0x3330;
	s10 =	simm.s32 $0x0;
	_ =	strace $0x8000004A;
	s5 =	sor.u32 s6, s5;
	v1 =	vsel vm11, $0x2100, v1;
	v2 =	vsel vm11, $0x6100, v2  }
0xe: {  	vm14 =	vcmask $0x3734;
	s4 =	ssub.s32 $0x2, s4;
	s6 =	sshll.u32 s5, $0x7;
	s5 =	sshll.u32 s5, $0x4;
	v1 =	vsel vm12, $0x2180, v1;
	v2 =	vsel vm12, $0x6180, v2  }
0xf: {  	v0 =	vmul.u32 $0x80, v0;
	s31 =	sshrl.u32 s4, $0x1;
	s6 =	sadd.s32 s6, s3;
	s5 =	sadd.s32 s5, s3;
	v1 =	vsel vm13, $0x2200, v1;
	v2 =	vsel vm13, $0x6200, v2  }
0x10: {  	vm15 =	vcmask $0x3B38;
	s7 =	ssub.s32 s4, s31;
	s3 =	sadd.s32 $0x4E00, s6;
	s4 =	sadd.s32 $0xE00, s5;
	v1 =	vsel vm14, $0x2280, v1;
	v3 =	vsel vm14, $0x6280, v2  }
0x11: {  	s5 =	sadd.s32 $0x24E00, s5;
	s6 =	smax.u32 s7, $0x1;
	s7 =	simm.s32 $0x1;
	v2 =	vor.u32 $0x800, v0;
	v1 =	vsel vm15, $0x2300, v1;
	v3 =	vsel vm15, $0x6300, v3  }
.LBB2_1:
0x12: {  	s11 =	simm.s32 $0x1  }
0x13: {  	v4 =	vmov s11  }
0x14: {  	[tilespmem:s2], [sflag:$0x1] =	stream.linear.gather [hbm4b:s3+s2], $0x8000, $0x38;
	v4 =	vand.u32 $0x7F, v4;
	[tilespmem:$0xA000] =	vst v63  }
0x15: {  	_ =	swait.ge [sflag:s7], $0x8000;
	v5 =	vbroadcast v4, $0x0  }
0x16: {  	s14 =	simm.s32 $0x9;
	[sflag:s7] =	ssyncset.done $0x0  }
0x17: {  	[sflag:s7] =	ssyncadd.s32 $0xFFFF8000;
	v4 =	vmov s14;
	v7 =	vor.u32 v0, v5  }
0x18: {  	[tilespmem:s8], [sflag:$0x1] =	stream.linear.gather [hbm4b:s4+s2], $0x1000, $0x38;
	v6 =	vand.u32 $0xFF, v4;
	[tilespmem:$0xA000] =	vst v63  }
0x19: {  	_ =	swait.ge [sflag:s7], $0x1000;
	v8 =	vadd.s32 v0, v6  }
0x1a: {  	s12 =	simm.s32 $0x2;
	[sflag:s7] =	ssyncset.done $0x0  }
0x1b: {  	s17 =	simm.s32 $0x3;
	v9 =	vmov s12;
	[sflag:s7] =	ssyncadd.s32 $0xFFFFF000  }
0x1c: {  	s16 =	simm.s32 $0x6;
	v12 =	vmov s17;
	v9 =	vand.u32 $0xFE, v9;
	v10 =	vld.idx.msk [tilespmem:v7+s8+$0x0], $0xffff  }
0x1d: {  	v11 =	vmov s16;
	v12 =	vand.u32 $0xFF, v12;
	v15 =	vadd.s32 v0, v9  }
0x1e: {  	s15 =	simm.s32 $0x8;
	v11 =	vand.u32 $0xFE, v11;
	v20 =	vadd.s32 v0, v12;
	v16 =	vld.idx.msk [tilespmem:v8+s8+$0x0], $0xffff  }
0x1f: {  	s18 =	simm.s32 $0x7;
	s19 =	simm.s32 $0x5;
	v13 =	vadd.s32 v0, v11;
	v4 =	vmov s15  }
0x20: {  	v18 =	vmov s18;
	v22 =	vmov s19;
	v4 =	vand.u32 $0xFE, v4  }
0x21: {  	v18 =	vand.u32 $0xFF, v18;
	v14 =	vadd.s32 v0, v4;
	v17 =	vshll.u32 v10, $0x3  }
0x22: {  	v22 =	vand.u32 $0xFF, v22;
	v21 =	vld.idx.msk [tilespmem:v15+s8+$0x0], $0xffff;
	v10 =	vand.u32 $0x7F, v10;
	v17 =	vand.u32 $0xFFFFFC00, v17  }
0x23: {  	v27 =	vadd.s32 v0, v18;
	v24 =	vld.idx.msk [tilespmem:v20+s8+$0x0], $0xffff;
	v23 =	vshll.u32 v16, $0x3;
	v10 =	vor.u32 v10, v17  }
0x24: {  	s30 =	simm.s32 $0xF;
	v16 =	vand.u32 $0x7F, v16;
	v23 =	vand.u32 $0xFFFFFC00, v23;
	v17 =	vld.idx.msk [tilespmem:v13+s8+$0x0], $0xffff;
	v10 =	vadd.s32 v1, v10  }
0x25: {  	s23 =	simm.s32 $0xE;
	v47 =	vmov s30;
	v25 =	vadd.s32 v0, v22;
	v16 =	vor.u32 v16, v23  }
0x26: {  	v35 =	vmov s23;
	v47 =	vand.u32 $0xFF, v47;
	v19 =	vld.idx.msk [tilespmem:v14+s8+$0x0], $0xffff;
	v23 =	vadd.s32 v1, v16  }
0x27: {  	s20 =	simm.s32 $0x4;
	v5 =	vor.u32 v2, v5;
	v6 =	vadd.s32 v2, v6;
	v4 =	vadd.s32 v2, v4  }
0x28: {  	v32 =	vld.idx.msk [tilespmem:v27+s8+$0x0], $0xffff;
	v28 =	vand.u32 $0x7F, v21;
	v21 =	vshll.u32 v21, $0x3;
	v16 =	vmov s20  }
0x29: {  	v31 =	vshll.u32 v24, $0x3;
	v29 =	vand.u32 $0xFE, v16;
	v16 =	vshll.u32 v17, $0x3;
	v10 =	vld.idx.msk [tilespmem:v10+s2+$0x0], $0xffff  }
0x2a: {  	v30 =	vld.idx.msk [tilespmem:v25+s8+$0x0], $0xffff;
	v24 =	vand.u32 $0x7F, v24;
	v33 =	vand.u32 $0xFFFFFC00, v16;
	v16 =	vadd.s32 v0, v29  }
0x2b: {  	v31 =	vand.u32 $0xFFFFFC00, v31;
	v26 =	vand.u32 $0x7F, v19;
	v19 =	vshll.u32 v19, $0x3;
	v23 =	vld.idx.msk [tilespmem:v23+s2+$0x0], $0xffff  }
0x2c: {  	v21 =	vand.u32 $0xFFFFFC00, v21;
	v19 =	vand.u32 $0xFFFFFC00, v19;
	v17 =	vand.u32 $0x7F, v17  }
0x2d: {  	v24 =	vor.u32 v24, v31;
	v19 =	vor.u32 v26, v19;
	v17 =	vor.u32 v17, v33  }
0x2e: {  	v31 =	vand.u32 $0x7F, v32;
	[tilespmem:v7+s9+$0x0] =	vst.idx.msk $0xffff, v10;
	v10 =	vadd.s32 v1, v24;
	v24 =	vadd.s32 v1, v17  }
0x2f: {  	v7 =	vshll.u32 v30, $0x3;
	v17 =	vand.u32 $0x7F, v30;
	v30 =	vshll.u32 v32, $0x3;
	v58 =	vld.idx.msk [tilespmem:v16+s8+$0x0], $0xffff  }
0x30: {  	v19 =	vadd.s32 v1, v19;
	[tilespmem:v8+s9+$0x0] =	vst.idx.msk $0xffff, v23;
	v26 =	vld.idx.msk [tilespmem:v5+s8+$0x0], $0xffff;
	v7 =	vand.u32 $0xFFFFFC00, v7;
	v30 =	vand.u32 $0xFFFFFC00, v30  }
0x31: {  	v8 =	vadd.s32 v2, v9;
	v7 =	vor.u32 v17, v7;
	v9 =	vor.u32 v31, v30  }
0x32: {  	v23 =	vld.idx.msk [tilespmem:v6+s8+$0x0], $0xffff;
	v17 =	vadd.s32 v2, v11;
	v30 =	vadd.s32 v1, v7;
	v7 =	vor.u32 v28, v21  }
0x33: {  	v9 =	vadd.s32 v1, v9;
	v21 =	vadd.s32 v2, v12;
	v31 =	vadd.s32 v1, v7  }
0x34: {  	v11 =	vand.u32 $0x7F, v58;
	v12 =	vshll.u32 v58, $0x3;
	v28 =	vld.idx.msk [tilespmem:v24+s2+$0x0], $0xffff;
	v24 =	vmov s2  }
0x35: {  	s22 =	simm.s32 $0xC;
	v7 =	vshll.u32 v26, $0x3;
	v12 =	vand.u32 $0xFFFFFC00, v12;
	v60 =	vand.u32 $0x7F, v26  }
0x36: {  	v26 =	vmov s22;
	v59 =	vand.u32 $0xFFFFFC00, v7;
	v7 =	vadd.s32 v2, v18  }
0x37: {  	v10 =	vld.idx.msk [tilespmem:v10+s2+$0x0], $0xffff;
	v18 =	vadd.s32 v2, v22;
	v22 =	vand.u32 $0x7F, v23;
	v23 =	vshll.u32 v23, $0x3  }
0x38: {  	v11 =	vor.u32 v11, v12;
	v37 =	vand.u32 $0xFE, v26;
	v12 =	vand.u32 $0xFFFFFC00, v23  }
0x39: {  	s21 =	simm.s32 $0xB;
	v23 =	vld.idx.msk [tilespmem:v30+s2+$0x0], $0xffff;
	v30 =	vand.u32 $0x7E, v24;
	v33 =	vor.u32 v60, v59;
	v24 =	vor.u32 v22, v12  }
0x3a: {  	s28 =	simm.s32 $0x13;
	v12 =	vbroadcast v30, $0x0;
	v30 =	vadd.s32 v1, v11;
	v11 =	vmov s21  }
0x3b: {  	s24 =	simm.s32 $0xD;
	v22 =	vadd.s32 v2, v29;
	v29 =	vmov s28;
	v11 =	vand.u32 $0x7F, v11;
	[tilespmem:v13+s9+$0x0] =	vst.idx.msk $0xffff, v28  }
0x3c: {  	s25 =	simm.s32 $0x10;
	v13 =	vld.idx.msk [tilespmem:v9+s2+$0x0], $0xffff;
	[tilespmem:v20+s9+$0x0] =	vst.idx.msk $0xffff, v10;
	v10 =	vmov s24;
	v40 =	vand.u32 $0xFF, v29;
	v9 =	vor.u32 v2, v12  }
0x3d: {  	s26 =	simm.s32 $0x12;
	v36 =	vbroadcast v11, $0x0;
	v20 =	vld.idx.msk [tilespmem:v17+s8+$0x0], $0xffff;
	v11 =	vmov s25;
	v26 =	vand.u32 $0xFF, v10  }
0x3e: {  	v19 =	vld.idx.msk [tilespmem:v19+s2+$0x0], $0xffff;
	v39 =	vor.u32 v0, v12;
	v12 =	vadd.s32 v0, v37;
	[tilespmem:v25+s9+$0x0] =	vst.idx.msk $0xffff, v23;
	v25 =	vmov s26  }
0x3f: {  	v41 =	vadd.s32 v0, v40;
	v28 =	vand.u32 $0xFE, v11;
	v23 =	vld.idx.msk [tilespmem:v21+s8+$0x0], $0xffff;
	v10 =	vand.u32 $0xFE, v25  }
0x40: {  	s29 =	simm.s32 $0x11;
	v38 =	vor.u32 v0, v36;
	v29 =	vadd.s32 v0, v28;
	v34 =	vld.idx.msk [tilespmem:v18+s8+$0x0], $0xffff;
	v11 =	vadd.s32 v0, v10  }
0x41: {  	v31 =	vld.idx.msk [tilespmem:v31+s2+$0x0], $0xffff;
	v25 =	vmov s29;
	[tilespmem:v27+s9+$0x0] =	vst.idx.msk $0xffff, v13;
	v10 =	vadd.s32 v2, v10;
	v27 =	vadd.s32 v0, v26  }
0x42: {  	v25 =	vand.u32 $0xFF, v25;
	v13 =	vshll.u32 v20, $0x3;
	v42 =	vld.idx.msk [tilespmem:v7+s8+$0x0], $0xffff;
	v20 =	vand.u32 $0x7F, v20  }
0x43: {  	v61 =	vld.idx.msk [tilespmem:v39+s8+$0x0], $0xffff;
	v56 =	vand.u32 $0xFFFFFC00, v13;
	v13 =	vadd.s32 v0, v25;
	v25 =	vadd.s32 v2, v25  }
0x44: {  	v63 =	vld.idx.msk [tilespmem:v12+s8+$0x0], $0xffff;
	v43 =	vshll.u32 v23, $0x3;
	v23 =	vand.u32 $0x7F, v23;
	v20 =	vor.u32 v20, v56  }
0x45: {  	v51 =	vld.idx.msk [tilespmem:v41+s8+$0x0], $0xffff;
	v45 =	vshll.u32 v34, $0x3;
	v43 =	vand.u32 $0xFFFFFC00, v43;
	v34 =	vand.u32 $0x7F, v34  }
0x46: {  	[tilespmem:v14+s9+$0x0] =	vst.idx.msk $0xffff, v19;
	v30 =	vld.idx.msk [tilespmem:v30+s2+$0x0], $0xffff;
	v55 =	vadd.s32 v3, v20;
	v20 =	vand.u32 $0xFE, v35;
	v45 =	vand.u32 $0xFFFFFC00, v45  }
0x47: {  	v44 =	vld.idx.msk [tilespmem:v38+s8+$0x0], $0xffff;
	v23 =	vor.u32 v23, v43;
	v19 =	vadd.s32 v0, v20;
	v62 =	vor.u32 v34, v45  }
0x48: {  	v48 =	vld.idx.msk [tilespmem:v29+s8+$0x0], $0xffff;
	v23 =	vadd.s32 v3, v23;
	v49 =	vshll.u32 v42, $0x3;
	v34 =	vadd.s32 v0, v47  }
0x49: {  	v42 =	vand.u32 $0x7F, v42;
	v54 =	vshll.u32 v61, $0x3;
	v56 =	vand.u32 $0x7F, v63  }
0x4a: {  	[tilespmem:v15+s9+$0x0] =	vst.idx.msk $0xffff, v31;
	v46 =	vld.idx.msk [tilespmem:v11+s8+$0x0], $0xffff;
	v15 =	vand.u32 $0x7F, v61;
	v57 =	vshll.u32 v63, $0x3;
	v60 =	vand.u32 $0x7F, v51  }
0x4b: {  	v53 =	vld.idx.msk [tilespmem:v27+s8+$0x0], $0xffff;
	v32 =	vadd.s32 v3, v62;
	v49 =	vand.u32 $0xFFFFFC00, v49;
	v58 =	vand.u32 $0xFFFFFC00, v54  }
0x4c: {  	v35 =	vld.idx.msk [tilespmem:v8+s8+$0x0], $0xffff;
	[tilespmem:v16+s9+$0x0] =	vst.idx.msk $0xffff, v30;
	v43 =	vand.u32 $0xFFFFFC00, v57;
	v50 =	vshll.u32 v44, $0x3;
	v44 =	vand.u32 $0x7F, v44  }
0x4d: {  	v61 =	vld.idx.msk [tilespmem:v22+s8+$0x0], $0xffff;
	v59 =	vshll.u32 v48, $0x3;
	v15 =	vor.u32 v15, v58;
	v50 =	vand.u32 $0xFFFFFC00, v50  }
0x4e: {  	v30 =	vand.u32 $0x7F, v48;
	v58 =	vld.idx.msk [tilespmem:v13+s8+$0x0], $0xffff;
	v45 =	vand.u32 $0xFFFFFC00, v59;
	v31 =	vor.u32 v44, v50  }
0x4f: {  	v52 =	vand.u32 $0x7F, v46;
	v50 =	vld.idx.msk [tilespmem:v23+s2+$0x0], $0xffff;
	v23 =	vshll.u32 v51, $0x3;
	v31 =	vadd.s32 v1, v31  }
0x50: {  	v54 =	vld.idx.msk [tilespmem:v55+s2+$0x0], $0xffff;
	v16 =	vshll.u32 v53, $0x3;
	v62 =	vand.u32 $0x7F, v53;
	v23 =	vand.u32 $0xFFFFFC00, v23  }
0x51: {  	v46 =	vshll.u32 v46, $0x3;
	v63 =	vld.idx.msk [tilespmem:v34+s8+$0x0], $0xffff;
	v16 =	vand.u32 $0xFFFFFC00, v16;
	v23 =	vor.u32 v60, v23  }
0x52: {  	v32 =	vld.idx.msk [tilespmem:v32+s2+$0x0], $0xffff;
	v16 =	vor.u32 v62, v16;
	v48 =	vadd.s32 v1, v23;
	v23 =	vadd.s32 v1, v15  }
0x53: {  	v55 =	vld.idx.msk [tilespmem:v4+s8+$0x0], $0xffff;
	v57 =	vand.u32 $0xFFFFFC00, v46;
	v51 =	vadd.s32 v1, v16;
	v16 =	vor.u32 v30, v45  }
0x54: {  	v30 =	vor.u32 v52, v57;
	v45 =	vand.u32 $0x7F, v35;
	v59 =	vadd.s32 v1, v16;
	v31 =	vld.idx.msk [tilespmem:v31+s2+$0x0], $0xffff  }
0x55: {  	v57 =	vand.u32 $0x7F, v58;
	v15 =	vor.u32 v2, v36;
	v16 =	vadd.s32 v1, v30  }
0x56: {  	v30 =	vand.u32 $0x7F, v61;
	v60 =	vshll.u32 v63, $0x3;
	v62 =	vand.u32 $0x7F, v63;
	[tilespmem:v21+s9+$0x0] =	vst.idx.msk $0xffff, v50  }
0x57: {  	v63 =	vshll.u32 v58, $0x3;
	[tilespmem:v18+s9+$0x0] =	vst.idx.msk $0xffff, v32;
	v44 =	vand.u32 $0xFFFFFC00, v60;
	v14 =	vld.idx.msk [tilespmem:v23+s2+$0x0], $0xffff;
	v23 =	vshll.u32 v61, $0x3  }
0x58: {  	v18 =	vadd.s32 v2, v40;
	v61 =	vand.u32 $0xFFFFFC00, v23;
	v23 =	vadd.s32 v2, v37;
	v37 =	vld.idx.msk [tilespmem:v48+s2+$0x0], $0xffff  }
0x59: {  	v52 =	vand.u32 $0x7F, v55;
	v58 =	vand.u32 $0xFFFFFC00, v63;
	v32 =	vor.u32 v62, v44;
	[tilespmem:v38+s9+$0x0] =	vst.idx.msk $0xffff, v31;
	v31 =	vld.idx.msk [tilespmem:v59+s2+$0x0], $0xffff  }
0x5a: {  	v62 =	vor.u32 v56, v43;
	v30 =	vor.u32 v30, v61;
	v59 =	vadd.s32 v1, v32;
	v44 =	vld.idx.msk [tilespmem:v15+s8+$0x0], $0xffff  }
0x5b: {  	v50 =	vld.idx.msk [tilespmem:v19+s8+$0x0], $0xffff;
	v60 =	vor.u32 v57, v58;
	v63 =	vadd.s32 v1, v62;
	v30 =	vadd.s32 v3, v30  }
0x5c: {  	v48 =	vld.idx.msk [tilespmem:v51+s2+$0x0], $0xffff;
	v61 =	vor.u32 v42, v49;
	v49 =	vshll.u32 v55, $0x3;
	[tilespmem:v39+s9+$0x0] =	vst.idx.msk $0xffff, v14;
	v14 =	vshll.u32 v35, $0x3  }
0x5d: {  	v38 =	vadd.s32 v1, v60;
	v32 =	vand.u32 $0xFFFFFC00, v49;
	v21 =	vld.idx.msk [tilespmem:v9+s8+$0x0], $0xffff;
	v14 =	vand.u32 $0xFFFFFC00, v14;
	[tilespmem:v41+s9+$0x0] =	vst.idx.msk $0xffff, v37  }
0x5e: {  	v51 =	vor.u32 v45, v14;
	v14 =	vadd.s32 v2, v28;
	v53 =	vld.idx.msk [tilespmem:v18+s8+$0x0], $0xffff;
	v28 =	vor.u32 v52, v32  }
0x5f: {  	v32 =	vadd.s32 v3, v24;
	v57 =	vld.idx.msk [tilespmem:v59+s2+$0x0], $0xffff;
	v55 =	vadd.s32 v3, v51;
	v24 =	vshll.u32 v44, $0x3  }
0x60: {  	s31 =	simm.s32 $0xA;
	v56 =	vld.idx.msk [tilespmem:v30+s2+$0x0], $0xffff;
	v30 =	vadd.s32 v3, v28;
	v28 =	vand.u32 $0xFFFFFC00, v24;
	v24 =	vadd.s32 v3, v33  }
0x61: {  	[tilespmem:v17+s9+$0x0] =	vst.idx.msk $0xffff, v54;
	v17 =	vadd.s32 v2, v26;
	v58 =	vadd.s32 v3, v61;
	v36 =	vld.idx.msk [tilespmem:v63+s2+$0x0], $0xffff;
	v63 =	vmov s31  }
0x62: {  	[tilespmem:v29+s9+$0x0] =	vst.idx.msk $0xffff, v31;
	v29 =	vand.u32 $0x7F, v50;
	v31 =	vshll.u32 v50, $0x3;
	v33 =	vld.idx.msk [tilespmem:v38+s2+$0x0], $0xffff;
	v60 =	vshll.u32 v21, $0x3  }
0x63: {  	[tilespmem:v27+s9+$0x0] =	vst.idx.msk $0xffff, v48;
	v27 =	vand.u32 $0xFFFFFC00, v31;
	v59 =	vand.u32 $0x7F, v21;
	v26 =	vand.u32 $0xFFFFFC00, v60;
	v31 =	vld.idx.msk [tilespmem:v14+s8+$0x0], $0xffff  }
0x64: {  	v27 =	vor.u32 v29, v27;
	v62 =	vshll.u32 v53, $0x3;
	v37 =	vor.u32 v59, v26;
	v26 =	vld.idx.msk [tilespmem:v55+s2+$0x0], $0xffff  }
0x65: {  	v21 =	vadd.s32 v2, v47;
	v61 =	vand.u32 $0x7F, v53;
	[tilespmem:v34+s9+$0x0] =	vst.idx.msk $0xffff, v57;
	v29 =	vand.u32 $0xFFFFFC00, v62;
	v35 =	vld.idx.msk [tilespmem:v24+s2+$0x0], $0xffff  }
0x66: {  	s11 =	simm.s32 $0x14;
	v40 =	vand.u32 $0x7F, v44;
	[tilespmem:v22+s9+$0x0] =	vst.idx.msk $0xffff, v56;
	v24 =	vand.u32 $0x7E, v63;
	v22 =	vor.u32 v61, v29;
	v29 =	vld.idx.msk [tilespmem:v58+s2+$0x0], $0xffff  }
.LBB2_2:
0x67: {  	s13 =	sadd.s32 $0x1, s11  }
0x68: {  	s14 =	sadd.s32 $0x2, s11;
	s15 =	sadd.s32 $0x3, s11;
	v34 =	vbroadcast v24, $0x0;
	v41 =	vadd.s32 v1, v27;
	v24 =	vadd.s32 v2, v20;
	v20 =	vld.idx.msk [tilespmem:v32+s2+$0x0], $0xffff;
	s12 =	smov.u32 s11  }
0x69: {  	p0 =	slt.u32 s11, $0x5A;
	s11 =	sadd.s32 $0xA, s11;
	v42 =	vadd.s32 v3, v37;
	v27 =	vmov s13;
	v32 =	vmov s14;
	s13 =	sadd.s32 $0x4, s12;
	[tilespmem:v12+s9+$0x0] =	vst.idx.msk $0xffff, v36;
	v43 =	vld.idx.msk [tilespmem:v30+s2+$0x0], $0xffff  }
0x6a: {  	s14 =	sadd.s32 $0x7, s12;
	v12 =	vand.u32 $0x7F, v27;
	v44 =	vmov s13;
	s13 =	sadd.s32 $0x6, s12;
	v45 =	vor.u32 v2, v34;
	v27 =	vld.idx.msk [tilespmem:v23+s8+$0x0], $0xffff;
	[tilespmem:v8+s9+$0x0] =	vst.idx.msk $0xffff, v26;
	v8 =	vmovc v23  }
0x6b: {  	v46 =	vbroadcast v12, $0x0;
	v12 =	vmov s15;
	v30 =	vmov s13;
	s13 =	sadd.s32 $0x8, s12;
	s15 =	sadd.s32 $0x9, s12;
	v47 =	vld.idx.msk [tilespmem:v17+s8+$0x0], $0xffff  }
0x6c: {  	v23 =	vand.u32 $0xFE, v32;
	v32 =	vmov s13;
	v39 =	vmov s15;
	v48 =	vld.idx.msk [tilespmem:v21+s8+$0x0], $0xffff;
	[tilespmem:v5+s9+$0x0] =	vst.idx.msk $0xffff, v35;
	v5 =	vmovc v15  }
0x6d: {  	v26 =	vand.u32 $0xFF, v12;
	v37 =	vor.u32 v0, v46;
	v15 =	vand.u32 $0xFE, v32;
	[tilespmem:v7+s9+$0x0] =	vst.idx.msk $0xffff, v29;
	v7 =	vmovc v25  }
0x6e: {  	v36 =	vor.u32 v0, v34;
	v32 =	vand.u32 $0xFE, v30;
	v38 =	vadd.s32 v0, v15;
	[tilespmem:v6+s9+$0x0] =	vst.idx.msk $0xffff, v20  }
0x6f: {  	v12 =	vadd.s32 v0, v23;
	v39 =	vand.u32 $0xFF, v39;
	v20 =	vmov s14;
	v6 =	vmovc v18;
	[tilespmem:v13+s9+$0x0] =	vst.idx.msk $0xffff, v33;
	v34 =	vld.idx.msk [tilespmem:v42+s2+$0x0], $0xffff  }
0x70: {  	v30 =	vadd.s32 v0, v32;
	v35 =	vadd.s32 v0, v39;
	v13 =	vadd.s32 v2, v15;
	v15 =	vld.idx.msk [tilespmem:v41+s2+$0x0], $0xffff  }
0x71: {  	v18 =	vshll.u32 v31, $0x3;
	v33 =	vadd.s32 v0, v26;
	v29 =	vand.u32 $0xFF, v20;
	v20 =	vld.idx.msk [tilespmem:v25+s8+$0x0], $0xffff;
	[tilespmem:v4+s9+$0x0] =	vst.idx.msk $0xffff, v43  }
0x72: {  	v42 =	vand.u32 $0x7F, v47;
	v25 =	vshll.u32 v47, $0x3;
	v43 =	vshll.u32 v48, $0x3;
	v4 =	vmovc v10;
	v10 =	vmovc v13;
	v41 =	vld.idx.msk [tilespmem:v37+s8+$0x0], $0xffff  }
0x73: {  	v48 =	vand.u32 $0x7F, v48;
	v13 =	vand.u32 $0xFFFFFC00, v25;
	v43 =	vand.u32 $0xFFFFFC00, v43;
	v47 =	vld.idx.msk [tilespmem:v38+s8+$0x0], $0xffff  }
0x74: {  	v25 =	vor.u32 v40, v28;
	v13 =	vor.u32 v42, v13;
	v28 =	vor.u32 v48, v43;
	v49 =	vld.idx.msk [tilespmem:v36+s8+$0x0], $0xffff  }
0x75: {  	s13 =	sadd.s32 $0x5, s12;
	v18 =	vand.u32 $0xFFFFFC00, v18;
	v42 =	vadd.s32 v3, v13;
	v28 =	vadd.s32 v3, v28;
	v40 =	vld.idx.msk [tilespmem:v12+s8+$0x0], $0xffff  }
0x76: {  	v50 =	vand.u32 $0x7F, v31;
	v43 =	vmov s13;
	v13 =	vadd.s32 v0, v29;
	v48 =	vld.idx.msk [tilespmem:v35+s8+$0x0], $0xffff;
	[tilespmem:v9+s9+$0x0] =	vst.idx.msk $0xffff, v34;
	v9 =	vmovc v45  }
0x77: {  	v31 =	vand.u32 $0xFF, v43;
	v43 =	vld.idx.msk [tilespmem:v30+s8+$0x0], $0xffff;
	[tilespmem:v19+s9+$0x0] =	vst.idx.msk $0xffff, v15;
	v15 =	vor.u32 v50, v18;
	v18 =	vshll.u32 v20, $0x3  }
0x78: {  	v34 =	vadd.s32 v0, v31;
	v19 =	vshll.u32 v41, $0x3;
	v45 =	vld.idx.msk [tilespmem:v33+s8+$0x0], $0xffff;
	v50 =	vand.u32 $0xFFFFFC00, v18  }
0x79: {  	v51 =	vand.u32 $0x7F, v20;
	v18 =	vand.u32 $0xFFFFFC00, v19;
	v19 =	vand.u32 $0x7F, v47  }
0x7a: {  	v41 =	vand.u32 $0x7F, v41;
	v15 =	vadd.s32 v3, v15;
	v52 =	vshll.u32 v49, $0x3;
	v42 =	vld.idx.msk [tilespmem:v42+s2+$0x0], $0xffff  }
0x7b: {  	v20 =	vand.u32 $0xFE, v44;
	v44 =	vand.u32 $0x7F, v49;
	v53 =	vand.u32 $0x7F, v40;
	v28 =	vld.idx.msk [tilespmem:v28+s2+$0x0], $0xffff  }
0x7c: {  	v18 =	vor.u32 v41, v18;
	v40 =	vshll.u32 v40, $0x3;
	v41 =	vand.u32 $0xFFFFFC00, v52  }
0x7d: {  	v52 =	vshll.u32 v48, $0x3;
	v41 =	vor.u32 v44, v41;
	v49 =	vshll.u32 v43, $0x3;
	v16 =	vld.idx.msk [tilespmem:v16+s2+$0x0], $0xffff  }
0x7e: {  	v18 =	vadd.s32 v1, v18;
	v48 =	vand.u32 $0x7F, v48;
	v52 =	vand.u32 $0xFFFFFC00, v52;
	v44 =	vld.idx.msk [tilespmem:v34+s8+$0x0], $0xffff  }
0x7f: {  	v40 =	vand.u32 $0xFFFFFC00, v40;
	v54 =	vshll.u32 v45, $0x3;
	v48 =	vor.u32 v48, v52;
	v52 =	vld.idx.msk [tilespmem:v24+s8+$0x0], $0xffff  }
0x80: {  	v43 =	vand.u32 $0x7F, v43;
	v41 =	vadd.s32 v1, v41;
	v48 =	vadd.s32 v1, v48;
	v55 =	vld.idx.msk [tilespmem:v15+s2+$0x0], $0xffff  }
0x81: {  	v45 =	vand.u32 $0x7F, v45;
	v49 =	vand.u32 $0xFFFFFC00, v49;
	v54 =	vand.u32 $0xFFFFFC00, v54;
	[tilespmem:v21+s9+$0x0] =	vst.idx.msk $0xffff, v28  }
0x82: {  	v15 =	vor.u32 v2, v46;
	v21 =	vor.u32 v45, v54;
	v45 =	vshll.u32 v47, $0x3;
	v28 =	vld.idx.msk [tilespmem:v13+s8+$0x0], $0xffff  }
0x83: {  	v46 =	vld.idx.msk [tilespmem:v18+s2+$0x0], $0xffff;
	v18 =	vadd.s32 v1, v21;
	v21 =	vor.u32 v43, v49;
	v43 =	vand.u32 $0xFFFFFC00, v45  }
0x84: {  	v21 =	vadd.s32 v1, v21;
	v19 =	vor.u32 v19, v43;
	v43 =	vand.u32 $0x7F, v27;
	[tilespmem:v11+s9+$0x0] =	vst.idx.msk $0xffff, v16  }
0x85: {  	v47 =	vand.u32 $0x7F, v52;
	v16 =	vadd.s32 v1, v19;
	v41 =	vld.idx.msk [tilespmem:v41+s2+$0x0], $0xffff;
	[tilespmem:v17+s9+$0x0] =	vst.idx.msk $0xffff, v42;
	v17 =	vshll.u32 v52, $0x3  }
0x86: {  	v19 =	vadd.s32 v0, v20;
	v42 =	vshll.u32 v44, $0x3;
	v17 =	vand.u32 $0xFFFFFC00, v17;
	[tilespmem:v14+s9+$0x0] =	vst.idx.msk $0xffff, v55;
	v45 =	vld.idx.msk [tilespmem:v4+s8+$0x0], $0xffff  }
0x87: {  	v23 =	vadd.s32 v2, v23;
	v11 =	vmovc v38;
	v14 =	vand.u32 $0x7F, v44;
	v44 =	vld.idx.msk [tilespmem:v48+s2+$0x0], $0xffff;
	v17 =	vor.u32 v47, v17  }
0x88: {  	v42 =	vand.u32 $0xFFFFFC00, v42;
	v47 =	vshll.u32 v28, $0x3;
	v38 =	vld.idx.msk [tilespmem:v18+s2+$0x0], $0xffff;
	v18 =	vadd.s32 v2, v39  }
0x89: {  	v14 =	vor.u32 v14, v42;
	v28 =	vand.u32 $0x7F, v28;
	[tilespmem:v37+s9+$0x0] =	vst.idx.msk $0xffff, v46;
	v21 =	vld.idx.msk [tilespmem:v21+s2+$0x0], $0xffff;
	v37 =	vand.u32 $0xFFFFFC00, v47  }
0x8a: {  	v42 =	vadd.s32 v1, v14;
	v39 =	vld.idx.msk [tilespmem:v15+s8+$0x0], $0xffff;
	v14 =	vor.u32 v28, v37;
	v37 =	vor.u32 v51, v50  }
0x8b: {  	v27 =	vshll.u32 v27, $0x3;
	v17 =	vadd.s32 v3, v17;
	v46 =	vadd.s32 v1, v14;
	[tilespmem:v36+s9+$0x0] =	vst.idx.msk $0xffff, v41  }
0x8c: {  	v27 =	vand.u32 $0xFFFFFC00, v27;
	v28 =	vor.u32 v53, v40;
	v14 =	vadd.s32 v2, v32;
	v36 =	vld.idx.msk [tilespmem:v9+s8+$0x0], $0xffff  }
0x8d: {  	v40 =	vadd.s32 v1, v28;
	v28 =	vshll.u32 v45, $0x3;
	v32 =	vadd.s32 v3, v22  }
0x8e: {  	v27 =	vor.u32 v43, v27;
	v28 =	vand.u32 $0xFFFFFC00, v28;
	v22 =	vld.idx.msk [tilespmem:v19+s8+$0x0], $0xffff;
	[tilespmem:v35+s9+$0x0] =	vst.idx.msk $0xffff, v44;
	v35 =	vand.u32 $0x7F, v45  }
0x8f: {  	v27 =	vadd.s32 v3, v27;
	[tilespmem:v33+s9+$0x0] =	vst.idx.msk $0xffff, v38;
	v38 =	vld.idx.msk [tilespmem:v18+s8+$0x0], $0xffff;
	v28 =	vor.u32 v35, v28  }
0x90: {  	v33 =	vshll.u32 v39, $0x3;
	[tilespmem:v30+s9+$0x0] =	vst.idx.msk $0xffff, v21;
	v41 =	vld.idx.msk [tilespmem:v17+s2+$0x0], $0xffff;
	v30 =	vadd.s32 v3, v28  }
0x91: {  	v43 =	vadd.s32 v3, v37;
	v35 =	vadd.s32 v3, v25;
	v28 =	vand.u32 $0xFFFFFC00, v33;
	v42 =	vld.idx.msk [tilespmem:v42+s2+$0x0], $0xffff  }
0x92: {  	v25 =	vadd.s32 v2, v29;
	v29 =	vand.u32 $0x7F, v36;
	v37 =	vshll.u32 v36, $0x3;
	v33 =	vld.idx.msk [tilespmem:v46+s2+$0x0], $0xffff  }
.Ltmp0:
0x93: {  	v17 =	vadd.s32 v2, v26;
	v21 =	vadd.s32 v2, v31;
	v26 =	vand.u32 $0xFFFFFC00, v37;
	v36 =	vld.idx.msk [tilespmem:v40+s2+$0x0], $0xffff;
	(pc) =	sbr.rel @p0 .LBB2_2-.Ltmp0, $4  }
0x94: {  	v40 =	vand.u32 $0x7F, v22;
	v22 =	vshll.u32 v22, $0x3;
	v37 =	vor.u32 v29, v26;
	v26 =	vld.idx.msk [tilespmem:v27+s2+$0x0], $0xffff  }
0x95: {  	v22 =	vand.u32 $0xFFFFFC00, v22;
	v29 =	vand.u32 $0x7F, v38;
	v38 =	vshll.u32 v38, $0x3;
	v31 =	vld.idx.msk [tilespmem:v14+s8+$0x0], $0xffff  }
0x96: {  	v44 =	vmov s12;
	v27 =	vor.u32 v40, v22;
	v22 =	vand.u32 $0xFFFFFC00, v38;
	v35 =	vld.idx.msk [tilespmem:v35+s2+$0x0], $0xffff;
	[tilespmem:v24+s9+$0x0] =	vst.idx.msk $0xffff, v41  }
0x97: {  	v40 =	vand.u32 $0x7F, v39;
	v24 =	vand.u32 $0x7E, v44;
	v22 =	vor.u32 v29, v22;
	[tilespmem:v34+s9+$0x0] =	vst.idx.msk $0xffff, v42;
	v29 =	vld.idx.msk [tilespmem:v43+s2+$0x0], $0xffff  }
0x98: {  	v24 =	vbroadcast v24, $0x0;
	_ =	sdelay $0x1  }
0x99: {  	v34 =	vor.u32 v0, v24;
	_ =	sdelay $0x4  }
0x9a: {  	v38 =	vld.idx.msk [tilespmem:v34+s8+$0x0], $0xffff  }
0x9b: {  	v27 =	vadd.s32 v1, v27;
	_ =	sdelay $0x3  }
0x9c: {  	v39 =	vshll.u32 v38, $0x3  }
0x9d: {  	v27 =	vld.idx.msk [tilespmem:v27+s2+$0x0], $0xffff;
	v38 =	vand.u32 $0x7F, v38;
	v39 =	vand.u32 $0xFFFFFC00, v39  }
0x9e: {  	v20 =	vadd.s32 v2, v20;
	v41 =	vld.idx.msk [tilespmem:v17+s8+$0x0], $0xffff;
	v38 =	vor.u32 v38, v39  }
0x9f: {  	v49 =	vld.idx.msk [tilespmem:v21+s8+$0x0], $0xffff;
	v38 =	vadd.s32 v1, v38  }
0xa0: {  	[tilespmem:v13+s9+$0x0] =	vst.idx.msk $0xffff, v33;
	v16 =	vld.idx.msk [tilespmem:v16+s2+$0x0], $0xffff  }
0xa1: {  	[tilespmem:v12+s9+$0x0] =	vst.idx.msk $0xffff, v36;
	v13 =	vld.idx.msk [tilespmem:v25+s8+$0x0], $0xffff  }
0xa2: {  	v56 =	vld.idx.msk [tilespmem:v23+s8+$0x0], $0xffff;
	[tilespmem:v19+s9+$0x0] =	vst.idx.msk $0xffff, v27  }
0xa3: {  	v53 =	vor.u32 v40, v28;
	v37 =	vadd.s32 v3, v37;
	v22 =	vadd.s32 v3, v22;
	v52 =	vld.idx.msk [tilespmem:v20+s8+$0x0], $0xffff  }
0xa4: {  	v12 =	vadd.s32 v3, v53;
	v58 =	vshll.u32 v31, $0x3;
	v59 =	vand.u32 $0x7F, v31;
	v55 =	vld.idx.msk [tilespmem:v38+s2+$0x0], $0xffff  }
0xa5: {  	v50 =	vand.u32 $0x7F, v41;
	v54 =	vshll.u32 v49, $0x3;
	v19 =	vor.u32 v2, v24  }
0xa6: {  	v51 =	vshll.u32 v41, $0x3;
	v57 =	vand.u32 $0x7F, v49;
	v28 =	vand.u32 $0xFFFFFC00, v54  }
0xa7: {  	[tilespmem:v11+s9+$0x0] =	vst.idx.msk $0xffff, v16;
	v62 =	vshll.u32 v13, $0x3;
	v42 =	vshll.u32 v56, $0x3;
	v45 =	vand.u32 $0x7F, v56  }
0xa8: {  	[tilespmem:v5+s9+$0x0] =	vst.idx.msk $0xffff, v35;
	v63 =	vld.idx.msk [tilespmem:v10+s8+$0x0], $0xffff;
	v5 =	vand.u32 $0x7F, v13;
	v28 =	vor.u32 v57, v28;
	v47 =	vand.u32 $0xFFFFFC00, v42  }
0xa9: {  	v60 =	vadd.s32 v3, v28;
	v28 =	vand.u32 $0xFFFFFC00, v62;
	v40 =	vshll.u32 v52, $0x3;
	[tilespmem:v34+s9+$0x0] =	vst.idx.msk $0xffff, v55  }
0xaa: {  	[tilespmem:v8+s9+$0x0] =	vst.idx.msk $0xffff, v26;
	v26 =	vor.u32 v45, v47;
	v33 =	vand.u32 $0x7F, v52;
	v41 =	vand.u32 $0xFFFFFC00, v40;
	v43 =	vld.idx.msk [tilespmem:v19+s8+$0x0], $0xffff  }
0xab: {  	v32 =	vld.idx.msk [tilespmem:v32+s2+$0x0], $0xffff;
	v5 =	vor.u32 v5, v28;
	v26 =	vadd.s32 v3, v26;
	v46 =	vor.u32 v33, v41  }
0xac: {  	v44 =	vld.idx.msk [tilespmem:v30+s2+$0x0], $0xffff;
	v27 =	vand.u32 $0xFFFFFC00, v51;
	v5 =	vadd.s32 v3, v5;
	v48 =	vadd.s32 v3, v46  }
0xad: {  	v49 =	vld.idx.msk [tilespmem:v37+s2+$0x0], $0xffff;
	v24 =	vor.u32 v50, v27;
	v50 =	vshll.u32 v63, $0x3;
	v51 =	vand.u32 $0x7F, v63  }
0xae: {  	[tilespmem:v7+s9+$0x0] =	vst.idx.msk $0xffff, v29;
	v62 =	vld.idx.msk [tilespmem:v22+s2+$0x0], $0xffff;
	v24 =	vadd.s32 v3, v24;
	v53 =	vand.u32 $0xFFFFFC00, v50;
	v38 =	vand.u32 $0xFFFFFC00, v58  }
0xaf: {  	v11 =	vld.idx.msk [tilespmem:v60+s2+$0x0], $0xffff;
	v56 =	vor.u32 v51, v53;
	v61 =	vor.u32 v59, v38;
	v54 =	vshll.u32 v43, $0x3  }
0xb0: {  	[tilespmem:v6+s9+$0x0] =	vst.idx.msk $0xffff, v32;
	v60 =	vld.idx.msk [tilespmem:v26+s2+$0x0], $0xffff;
	v16 =	vadd.s32 v3, v61;
	v57 =	vand.u32 $0x7F, v43;
	v28 =	vand.u32 $0xFFFFFC00, v54  }
0xb1: {  	[tilespmem:v4+s9+$0x0] =	vst.idx.msk $0xffff, v44;
	v58 =	vadd.s32 v3, v56;
	v4 =	vld.idx.msk [tilespmem:v48+s2+$0x0], $0xffff;
	v59 =	vor.u32 v57, v28  }
0xb2: {  	[tilespmem:v9+s9+$0x0] =	vst.idx.msk $0xffff, v49;
	v5 =	vld.idx.msk [tilespmem:v5+s2+$0x0], $0xffff;
	v13 =	vadd.s32 v3, v59  }
0xb3: {  	[tilespmem:v18+s9+$0x0] =	vst.idx.msk $0xffff, v62;
	v52 =	vld.idx.msk [tilespmem:v24+s2+$0x0], $0xffff  }
0xb4: {  	[tilespmem:v21+s9+$0x0] =	vst.idx.msk $0xffff, v11;
	v61 =	vld.idx.msk [tilespmem:v12+s2+$0x0], $0xffff  }
0xb5: {  	[tilespmem:v23+s9+$0x0] =	vst.idx.msk $0xffff, v60;
	v55 =	vld.idx.msk [tilespmem:v16+s2+$0x0], $0xffff  }
0xb6: {  	[tilespmem:v20+s9+$0x0] =	vst.idx.msk $0xffff, v4;
	v4 =	vld.idx.msk [tilespmem:v58+s2+$0x0], $0xffff  }
0xb7: {  	[tilespmem:v25+s9+$0x0] =	vst.idx.msk $0xffff, v5;
	v63 =	vld.idx.msk [tilespmem:v13+s2+$0x0], $0xffff  }
0xb8: {  	[tilespmem:v17+s9+$0x0] =	vst.idx.msk $0xffff, v52  }
0xb9: {  	[tilespmem:v15+s9+$0x0] =	vst.idx.msk $0xffff, v61  }
0xba: {  	s10 =	sadd.s32 $0x1, s10;
	[tilespmem:v14+s9+$0x0] =	vst.idx.msk $0xffff, v55  }
0xbb: {  	p0 =	sne.s32 s10, s6;
	[tilespmem:v10+s9+$0x0] =	vst.idx.msk $0xffff, v4  }
.Ltmp1:
0xbc: {  	[tilespmem:v19+s9+$0x0] =	vst.idx.msk $0xffff, v63;
	(pc) =	sbr.rel @p0 .LBB2_1-.Ltmp1, $4  }
0xbd: {  	[hbm4b:s5+s2] =	stream.linear.scatter [tilespmem:s9], [sflag:$0x1], $0x1000, $0x38;
	[tilespmem:$0xA000] =	vst v63  }
0xbe: {  	_ =	swait.ge [sflag:s7], $0x1000  }
0xbf: {  	[sflag:s7] =	ssyncset.done $0x0  }
0xc0: {  	[sflag:s7] =	ssyncadd.s32 $0xFFFFF000  }
0xc1: {  	_ =	sfence.sel $0x180000  }
0xc2: {  	[bflag:$0x0] =	sbarrier.arrive $0xFFFF  }
0xc3: {  	p0 =	sne.s32 s1, $0x0;
	_ =	strace $0x9000004A  }
0xc4: {  	s0 =	sadd.s32 @!p0 $0x100000, s0;
	[bflag:$0x2] =	sbarrier.arrive $0xFFFF  }
0xc5: {  	[sflag:s0] =	ssyncadd.tile.s32 @!p0 $0x1;
	_ =	shalt  }
.Lfunc_end2:
_tile_overlayer_lowered:
.L_overlay_start_2:
0xc6: {  	(tag) =	ssettag $0x2  }
0xc7: {  	s0 =	rddreg [dreg:$0x0];
	s2 =	stileid.u32  }
0xc8: {  	s1 =	rddreg [dreg:$0x1];
	p0 =	sne.s32 s2, $0x0  }
0xc9: {  	s3 =	rddreg [dreg:$0x2];
	[bflag:$0x3] =	sbarrier.arrive $0xFFFF;
	s2 =	simm.s32 @!p0 $0x1C01  }
0xca: {  	[timem:s3], [sflag:s2] =	dma.local @!p0 [hbm:s0], s1  }
0xcb: {  	s0 =	simm.s32 @!p0 $0x1  }
0xcc: {  	_ =	swait.ge @!p0 [sflag:s0], s1  }
0xcd: {  	s1 =	ssub.s32 @!p0 $0x0, s1;
	[sflag:s0] =	ssyncset.done @!p0 $0x0  }
0xce: {  	[sflag:s0] =	ssyncadd.s32 @!p0 s1  }
0xcf: {  	[bflag:$0x3] =	sbarrier.arrive $0xFFFF  }
0xd0: {  	_ =	shalt  }

</sc_bundles>
